<compile_context>
chip_gen: v7x
topology: tpu7x:2x2x1
jax: 0.10.2.dev20260603
libtpu: 0.0.44.dev20260713+nightly
codegen_flags: <defaults>
</compile_context>

<pallas_src>
import functools

import jax
import jax.numpy as jnp
from jax import lax
from jax.experimental import pallas as pl
from jax.experimental.pallas import tpu as pltpu
from jax.experimental.pallas import tpu_sc as plsc

_LAMBDA_HM = 1.0
_LAMBDA_OFF = 1.0
_LAMBDA_FLUX = 0.1
_SIGMA = 2.0

_H = 256
_W = 256
_K = 64
_B = 8
_NC = 2
_NSUB = 16
_NW = _NC * _NSUB
_NSTRIP = _NW // _B
_SR = _H // _NSTRIP
_SW = _SR * _W
_MAGIC = 12582912.0


def _sc_body(gtc_h, gtf_h, off_h, flux_h,
             canvas_h, part_h,
             gtc_r, cxf_r, cyf_r, cxi_r, cyi_r, dx_r, dy_r, enc_r, ridx_r,
             gtfv_r, g0_r, g1_r, gf_r, canvas_r, orow_r, sem):
    wid = lax.axis_index("s") * _NC + lax.axis_index("c")
    b = wid // _NSTRIP
    strip = wid % _NSTRIP
    strip_lo = strip * _SR
    lanes = lax.iota(jnp.int32, 16)
    radius_i = int(3 * _SIGMA + 1)

    pltpu.sync_copy(gtc_h.at[b], gtc_r)
    pltpu.sync_copy(gtf_h.at[b], gtfv_r)

    for c in range(_K // 16):
        sl = pl.ds(c * 16, 16)
        kidx2 = (lanes + c * 16) * 2
        cx = plsc.load_gather(gtc_r, [kidx2]) * float(_W - 1)
        cy = plsc.load_gather(gtc_r, [kidx2 + 1]) * float(_H - 1)
        rcx = jnp.minimum(jnp.maximum((cx + _MAGIC) - _MAGIC, 0.0),
                          float(_W - 1))
        rcy = jnp.minimum(jnp.maximum((cy + _MAGIC) - _MAGIC, 0.0),
                          float(_H - 1))
        cxi = rcx.astype(jnp.int32)
        cyi = rcy.astype(jnp.int32)
        cxf_r[sl] = cx
        cyf_r[sl] = cy
        cxi_r[sl] = cxi
        cyi_r[sl] = cyi
        dx_r[sl] = cx - rcx
        dy_r[sl] = cy - rcy
        enc_r[sl] = cyi * _W + cxi
        ridx_r[sl] = cyi

    zero16 = jnp.zeros((16,), jnp.float32)

    def zbody(i, _):
        for j in range(16):
            canvas_r[i, pl.ds(j * 16, 16)] = zero16
        return 0

    lax.fori_loop(0, _SR, zbody, 0)

    def kbody(k, _):
        cxik = cxi_r[pl.ds(k, 16)][0]
        cyik = cyi_r[pl.ds(k, 16)][0]
        cxfk = cxf_r[pl.ds(k, 16)][0]
        cyfk = cyf_r[pl.ds(k, 16)][0]
        r_lo = jnp.maximum(cyik - radius_i, strip_lo)
        r_hi = jnp.minimum(cyik + radius_i + 1, strip_lo + _SR)
        xvec = cxik - radius_i + lanes
        valid = (xvec >= 0) & (xvec <= _W - 1) & (lanes <= 2 * radius_i)
        xc = jnp.minimum(jnp.maximum(xvec, 0), _W - 1)
        xd = xvec.astype(jnp.float32) - cxfk
        dx2 = xd * xd

        def rbody(r, _):
            rf = (lanes * 0 + r).astype(jnp.float32)
            yd = rf - cyfk
            g = jnp.exp(-(dx2 + yd * yd) / (2.0 * _SIGMA ** 2))
            rowv = jnp.where(valid, lanes * 0 + (r - strip_lo), _SR)
            colv = jnp.where(valid, xc, lanes)
            old = plsc.load_gather(canvas_r, [rowv, colv])
            plsc.store_scatter(canvas_r, [rowv, colv], jnp.maximum(old, g))
            return 0

        lax.fori_loop(r_lo, r_hi, rbody, 0)
        return 0

    lax.fori_loop(0, _K, kbody, 0)
    pltpu.sync_copy(canvas_r.at[pl.ds(0, _SR)],
                    canvas_h.at[pl.ds((b * _NSTRIP + strip) * _SR, _SR)])

    encv = [enc_r[pl.ds(c * 16, 16)] for c in range(_K // 16)]
    posv = [lanes + c * 16 for c in range(_K // 16)]

    def wbody(kp, dup):
        e = enc_r[pl.ds(kp, 16)][0]
        return tuple(
            dup[c] | ((encv[c] == e) & (posv[c] > kp)).astype(jnp.int32)
            for c in range(_K // 16))

    zi = jnp.zeros((16,), jnp.int32)
    dup = lax.fori_loop(0, _K, wbody, (zi, zi, zi, zi))

    pltpu.async_copy(off_h.at[b, 0].at[ridx_r], g0_r, sem).wait()
    pltpu.async_copy(off_h.at[b, 1].at[ridx_r], g1_r, sem).wait()
    pltpu.async_copy(flux_h.at[b].at[ridx_r], gf_r, sem).wait()

    a_off = jnp.zeros((16,), jnp.float32)
    a_flux = jnp.zeros((16,), jnp.float32)
    a_np = jnp.zeros((16,), jnp.float32)
    for c in range(_K // 16):
        sl = pl.ds(c * 16, 16)
        cyiv = cyi_r[sl]
        m = (dup[c] == 0) & (cyiv >= strip_lo) & (cyiv < strip_lo + _SR)
        kidx = lanes + c * 16
        rem = encv[c] & (_W - 1)
        v0 = plsc.load_gather(g0_r, [kidx, rem])
        v1 = plsc.load_gather(g1_r, [kidx, rem])
        vf = plsc.load_gather(gf_r, [kidx, rem])
        contrib = jnp.abs(v0 - dx_r[sl]) + jnp.abs(v1 - dy_r[sl])
        a_off = a_off + jnp.where(m, contrib, 0.0)
        a_flux = a_flux + jnp.where(m, jnp.abs(vf - gtfv_r[sl]), 0.0)
        a_np = a_np + jnp.where(m, 1.0, 0.0)

    s_off = jnp.sum(a_off)
    s_flux = jnp.sum(a_flux)
    s_np = jnp.sum(a_np)
    orow_r[pl.ds(0, 16)] = (jnp.where(lanes == 0, s_off, 0.0)
                            + jnp.where(lanes == 1, s_flux, 0.0)
                            + jnp.where(lanes == 2, s_np, 0.0))
    for c in range(1, 8):
        orow_r[pl.ds(c * 16, 16)] = zero16
    pltpu.sync_copy(orow_r, part_h.at[wid])


_sc_render = functools.partial(
    pl.kernel,
    mesh=plsc.VectorSubcoreMesh(core_axis_name="c", subcore_axis_name="s"),
    compiler_params=pltpu.CompilerParams(needs_layout_passes=False),
    out_type=[
        jax.ShapeDtypeStruct((_B * _H, _W), jnp.float32),
        jax.ShapeDtypeStruct((_NW, 128), jnp.float32),
    ],
    scratch_types=[
        pltpu.VMEM((128,), jnp.float32),
        pltpu.VMEM((_K + 16,), jnp.float32),
        pltpu.VMEM((_K + 16,), jnp.float32),
        pltpu.VMEM((_K + 16,), jnp.int32),
        pltpu.VMEM((_K + 16,), jnp.int32),
        pltpu.VMEM((_K,), jnp.float32),
        pltpu.VMEM((_K,), jnp.float32),
        pltpu.VMEM((_K + 16,), jnp.int32),
        pltpu.VMEM((_K,), jnp.int32),
        pltpu.VMEM((128,), jnp.float32),
        pltpu.VMEM((_K, _W), jnp.float32),
        pltpu.VMEM((_K, _W), jnp.float32),
        pltpu.VMEM((_K, _W), jnp.float32),
        pltpu.VMEM((_SR + 1, _W), jnp.float32),
        pltpu.VMEM((128,), jnp.float32),
        pltpu.SemaphoreType.DMA,
    ],
)(_sc_body)


def _tc_focal_body(part_ref, hm_ref, t_ref, out_ref):
    i = pl.program_id(0)
    p = jnp.clip(hm_ref[...], 1e-6, 1.0 - 1e-6)
    t = t_ref[...]
    pos = t == 1.0
    one_m_p = 1.0 - p
    pos_l = -(one_m_p * one_m_p) * jnp.log(p)
    omt = 1.0 - t
    omt2 = omt * omt
    neg_l = -(omt2 * omt2) * (p * p) * jnp.log(1.0 - p)
    s_f = jnp.sum(jnp.where(pos, pos_l, neg_l))
    pc = jnp.sum(pos.astype(jnp.float32))
    lane = jax.lax.broadcasted_iota(jnp.int32, (1, 128), 1)
    acc = jnp.where(lane == 0, s_f, 0.0) + jnp.where(lane == 1, pc, 0.0)

    @pl.when(i == 0)
    def _():
        out_ref[...] = jnp.zeros_like(out_ref)

    out_ref[...] = out_ref[...] + acc

    @pl.when(i == _B - 1)
    def _():
        cur = out_ref[...]
        s_f_t = jnp.sum(jnp.where(lane == 0, cur, 0.0))
        pc_t = jnp.sum(jnp.where(lane == 1, cur, 0.0))
        pmat = part_ref[...]
        lane2 = jax.lax.broadcasted_iota(jnp.int32, (_NW, 128), 1)
        s_off = jnp.sum(jnp.where(lane2 == 0, pmat, 0.0))
        s_flux = jnp.sum(jnp.where(lane2 == 1, pmat, 0.0))
        n_pos = jnp.sum(jnp.where(lane2 == 2, pmat, 0.0))
        loss_hm = s_f_t / jnp.maximum(pc_t, 1.0)
        n_pos_c = jnp.maximum(n_pos, 1.0)
        l_hm = _LAMBDA_HM * loss_hm
        l_off = _LAMBDA_OFF * (s_off / n_pos_c)
        l_fl = _LAMBDA_FLUX * (s_flux / n_pos_c)
        total = l_hm + l_off + l_fl
        out_ref[...] = (jnp.where(lane == 0, l_hm, 0.0)
                        + jnp.where(lane == 1, l_off, 0.0)
                        + jnp.where(lane == 2, l_fl, 0.0)
                        + jnp.where(lane == 3, total, 0.0)
                        + jnp.where(lane == 4, float(_K), 0.0))


@jax.jit
def _run(heatmap, offset, log_flux, gt_centroids, gt_log_flux):
    B = heatmap.shape[0]
    gtc128 = gt_centroids.reshape(B, 2 * _K)
    gtf128 = jnp.pad(gt_log_flux, ((0, 0), (0, 128 - _K)))

    canvas, part = _sc_render(gtc128, gtf128, offset, log_flux)

    hm2 = heatmap.reshape(B * _H, _W)
    t2 = canvas
    out = pl.pallas_call(
        _tc_focal_body,
        grid=(B,),
        in_specs=[
            pl.BlockSpec((_NW, 128), lambda i: (0, 0)),
            pl.BlockSpec((_H, _W), lambda i: (i, 0)),
            pl.BlockSpec((_H, _W), lambda i: (i, 0)),
        ],
        out_specs=pl.BlockSpec((1, 128), lambda i: (0, 0)),
        out_shape=jax.ShapeDtypeStruct((1, 128), jnp.float32),
    )(part, hm2, t2)
    return out[0, 0], out[0, 1], out[0, 2], out[0, 3]


def kernel(heatmap, offset, log_flux, gt_centroids, gt_log_flux):
    K = gt_centroids.shape[1]
    l_hm, l_off, l_fl, total = _run(heatmap, offset, log_flux,
                                    gt_centroids, gt_log_flux)
    return (l_hm, l_off, l_fl, total, jnp.asarray(float(K), jnp.float32))

# --- scband reference (transcript-rebuilt; emitter-appended) ---
"""Pipeline reference for scband-center-net-loss-31147102830885 (READ-ONLY COPY).

The authoritative reference and input builder live on the scoring server;
editing this copy changes nothing except your own understanding.
"""

import jax, jax.numpy as jnp
import numpy as np

LAMBDA_HM = 1.0
LAMBDA_OFF = 1.0
LAMBDA_FLUX = 0.1
SIGMA = 2.0


def setup_inputs(seed: int = 0) -> dict:
    key = jax.random.key(seed)
    k1, k2, k3, k4, k5 = jax.random.split(key, 5)
    B, H, W, K = 8, 256, 256, 64
    return {
        "heatmap": jax.random.uniform(k1, (B, 1, H, W), dtype=jnp.float32),
        "offset": jax.random.normal(k2, (B, 2, H, W), dtype=jnp.float32),
        "log_flux": jax.random.normal(k3, (B, H, W), dtype=jnp.float32),
        "gt_centroids": jax.random.uniform(k4, (B, K, 2), dtype=jnp.float32),
        "gt_log_flux": jax.random.normal(k5, (B, K), dtype=jnp.float32),
    }


def _render_targets(gt_centroids, feat_h, feat_w, sigma):
    B, K, _ = gt_centroids.shape
    gy = jnp.arange(feat_h, dtype=jnp.float32)
    gx = jnp.arange(feat_w, dtype=jnp.float32)
    grid_y, grid_x = jnp.meshgrid(gy, gx, indexing="ij")
    radius = float(int(3 * sigma + 1))
    cx = gt_centroids[:, :, 0] * (feat_w - 1)
    cy = gt_centroids[:, :, 1] * (feat_h - 1)
    cx_int = jnp.clip(jnp.round(cx), 0, feat_w - 1).astype(jnp.int32)
    cy_int = jnp.clip(jnp.round(cy), 0, feat_h - 1).astype(jnp.int32)
    dx = cx - cx_int.astype(jnp.float32)
    dy = cy - cy_int.astype(jnp.float32)

    def body(hm, xs):
        cxk, cyk, cxik, cyik = xs  # each [B]
        g = jnp.exp(-(((grid_x[None] - cxk[:, None, None]) ** 2)
                      + ((grid_y[None] - cyk[:, None, None]) ** 2)) / (2.0 * sigma ** 2))
        win = (jnp.abs(grid_x[None] - cxik[:, None, None]) <= radius) & \
              (jnp.abs(grid_y[None] - cyik[:, None, None]) <= radius)
        g = jnp.where(win, g, 0.0)
        return jnp.maximum(hm, g), None

    xs = (cx.T, cy.T, cx_int.T.astype(jnp.float32), cy_int.T.astype(jnp.float32))
    hm, _ = jax.lax.scan(body, jnp.zeros((B, feat_h, feat_w), jnp.float32), xs)

    b_idx = jnp.broadcast_to(jnp.arange(B)[:, None], (B, K))
    off = jnp.zeros((B, 2, feat_h, feat_w), jnp.float32)
    off = off.at[b_idx, 0, cy_int, cx_int].set(dx)
    off = off.at[b_idx, 1, cy_int, cx_int].set(dy)
    mask = jnp.zeros((B, 1, feat_h, feat_w), jnp.float32).at[b_idx, 0, cy_int, cx_int].set(1.0)
    n_src = jnp.full((B,), float(K), jnp.float32)
    return hm[:, None], off, mask, n_src, cx_int, cy_int


def _focal_loss(pred, target, alpha=2.0, beta=4.0):
    pred = jnp.clip(pred, 1e-6, 1.0 - 1e-6)
    pos_mask = (target == 1.0).astype(jnp.float32)
    neg_mask = 1.0 - pos_mask
    pos_loss = -((1.0 - pred) ** alpha) * jnp.log(pred) * pos_mask
    neg_loss = -((1.0 - target) ** beta) * (pred ** alpha) * jnp.log(1.0 - pred) * neg_mask
    n_pos = jnp.maximum(pos_mask.sum(), 1.0)
    return (pos_loss.sum() + neg_loss.sum()) / n_pos


def reference(heatmap, offset, log_flux, gt_centroids, gt_log_flux):
    B, _, H, W = heatmap.shape
    hm_t, off_t, off_mask, n_src, cx_int, cy_int = _render_targets(gt_centroids, H, W, SIGMA)
    loss_hm = _focal_loss(heatmap, hm_t)
    n_pos = jnp.maximum(off_mask.sum(), 1.0)
    loss_off = (jnp.abs(offset - off_t) * off_mask).sum() / n_pos
    b_idx = jnp.broadcast_to(jnp.arange(B)[:, None], gt_log_flux.shape)
    flux_t = jnp.zeros((B, H, W), jnp.float32).at[b_idx, cy_int, cx_int].set(gt_log_flux)
    loss_flux = (jnp.abs(log_flux - flux_t) * off_mask[:, 0]).sum() / n_pos
    l_hm = LAMBDA_HM * loss_hm
    l_off = LAMBDA_OFF * loss_off
    l_fl = LAMBDA_FLUX * loss_flux
    loss_total = l_hm + l_off + l_fl
    return (l_hm, l_off, l_fl, loss_total, n_src.mean())

if __name__ == "__main__":
    import jax
    _d = setup_inputs()
    print(jax.jit(kernel)(*tuple(_d.values())))

</pallas_src>

<mosaic_0001>
#map = affine_map<(d0, d1) -> (0, 0)>
#map1 = affine_map<(d0, d1) -> (0, 0, 0, 0)>
#map2 = affine_map<(d0, d1) -> (0, 0, 0)>
module attributes {stable_mosaic.version = 14 : i64} {
  func.func @_sc_body(%arg0: i32, %arg1: i32, %arg2: memref<8x128xf32, #tpu.memory_space<hbm>>, %arg3: memref<8x128xf32, #tpu.memory_space<hbm>>, %arg4: memref<8x2x256x256xf32, #tpu.memory_space<hbm>>, %arg5: memref<8x256x256xf32, #tpu.memory_space<hbm>>, %arg6: memref<2048x256xf32, #tpu.memory_space<hbm>>, %arg7: memref<32x128xf32, #tpu.memory_space<hbm>>, %arg8: memref<128xf32, #tpu.memory_space<vmem>>, %arg9: memref<80xf32, #tpu.memory_space<vmem>>, %arg10: memref<80xf32, #tpu.memory_space<vmem>>, %arg11: memref<80xi32, #tpu.memory_space<vmem>>, %arg12: memref<80xi32, #tpu.memory_space<vmem>>, %arg13: memref<64xf32, #tpu.memory_space<vmem>>, %arg14: memref<64xf32, #tpu.memory_space<vmem>>, %arg15: memref<80xi32, #tpu.memory_space<vmem>>, %arg16: memref<64xi32, #tpu.memory_space<vmem>>, %arg17: memref<128xf32, #tpu.memory_space<vmem>>, %arg18: memref<64x256xf32, #tpu.memory_space<vmem>>, %arg19: memref<64x256xf32, #tpu.memory_space<vmem>>, %arg20: memref<64x256xf32, #tpu.memory_space<vmem>>, %arg21: memref<65x256xf32, #tpu.memory_space<vmem>>, %arg22: memref<128xf32, #tpu.memory_space<vmem>>, %arg23: memref<!tpu.dma_semaphore, #tpu.memory_space<semaphore_mem>>) attributes {dimension_semantics = [#tpu.dimension_semantics<core_parallel>, #tpu.dimension_semantics<subcore_parallel>], iteration_bounds = array<i64: 2, 16>, scalar_prefetch = 0 : i64, scratch_operands = 16 : i64, tpu.core_type = #tpu.core_type<sc_vector_subcore>, window_params = [{transform_indices = #map}, {transform_indices = #map}, {transform_indices = #map1}, {transform_indices = #map2}, {transform_indices = #map}, {transform_indices = #map}]} {
    %mul3A = arith.constant 2 : i32
    %mul3A_0 = arith.muli %arg1, %mul3A : i32
    %add3A = arith.addi %mul3A_0, %arg0 : i32
    %jit3A = arith.constant 4 : i32
    %div3A = arith.divsi %add3A, %jit3A : i32
    %sign3A = arith.constant 0 : i32
    %sign3A_1 = arith.cmpi sgt, %add3A, %sign3A : i32
    %sign3A_2 = arith.extui %sign3A_1 : i1 to i32
    %sign3A_3 = arith.constant 0 : i32
    %sign3A_4 = arith.cmpi slt, %add3A, %sign3A_3 : i32
    %sign3A_5 = arith.extui %sign3A_4 : i1 to i32
    %sign3A_6 = arith.subi %sign3A_2, %sign3A_5 : i32
    %sign3A_7 = arith.constant 0 : i32
    %sign3A_8 = arith.cmpi sgt, %jit3A, %sign3A_7 : i32
    %sign3A_9 = arith.extui %sign3A_8 : i1 to i32
    %sign3A_10 = arith.constant 0 : i32
    %sign3A_11 = arith.cmpi slt, %jit3A, %sign3A_10 : i32
    %sign3A_12 = arith.extui %sign3A_11 : i1 to i32
    %sign3A_13 = arith.subi %sign3A_9, %sign3A_12 : i32
    %ne3A = arith.cmpi ne, %sign3A_6, %sign3A_13 : i32
    %rem3A = arith.remsi %add3A, %jit3A : i32
    %ne3A_14 = arith.constant 0 : i32
    %ne3A_15 = arith.cmpi ne, %rem3A, %ne3A_14 : i32
    %and3A = arith.andi %ne3A, %ne3A_15 : i1
    %sub3A = arith.constant 1 : i32
    %sub3A_16 = arith.subi %div3A, %sub3A : i32
    %select_n3A = arith.select %and3A, %sub3A_16, %div3A : i32
    %jit3A_17 = arith.constant 4 : i32
    %eq3A = arith.constant 0 : i32
    %eq3A_18 = arith.cmpi eq, %jit3A_17, %eq3A : i32
    %jit3A_19 = arith.constant 1 : i32
    %select_n3A_20 = arith.select %eq3A_18, %jit3A_19, %jit3A_17 : i32
    %rem3A_21 = arith.remsi %add3A, %select_n3A_20 : i32
    %ne3A_22 = arith.constant 0 : i32
    %ne3A_23 = arith.cmpi ne, %rem3A_21, %ne3A_22 : i32
    %lt3A = arith.constant 0 : i32
    %lt3A_24 = arith.cmpi slt, %rem3A_21, %lt3A : i32
    %lt3A_25 = arith.constant 0 : i32
    %lt3A_26 = arith.cmpi slt, %select_n3A_20, %lt3A_25 : i32
    %ne3A_27 = arith.xori %lt3A_24, %lt3A_26 : i1
    %and3A_28 = arith.andi %ne3A_27, %ne3A_23 : i1
    %add3A_29 = arith.addi %rem3A_21, %select_n3A_20 : i32
    %select_n3A_30 = arith.select %and3A_28, %add3A_29, %rem3A_21 : i32
    %mul3A_31 = arith.constant 64 : i32
    %mul3A_32 = arith.muli %select_n3A_30, %mul3A_31 : i32
    %iota3A = tpu.iota {dimensions = array<i32: 0>} : vector<16xi32>
    "tpu.region"() ({
      %run_scoped3A = tpu.sem_alloc : memref<!tpu.dma_semaphore, #tpu.memory_space<semaphore_mem>>
      %dma_start3A_628 = arith.constant 0 : i32
      %dma_start3A_629 = tpu.memref_slice %arg2[%select_n3A, %dma_start3A_628] : memref<8x128xf32, #tpu.memory_space<hbm>> -> memref<1x128xf32, #tpu.memory_space<hbm>>
      %dma_start3A_630 = tpu.memref_squeeze %dma_start3A_629 : memref<1x128xf32, #tpu.memory_space<hbm>> -> memref<128xf32, #tpu.memory_space<hbm>>
      %dma_start3A_631 = arith.constant 0 : i32
      %dma_start3A_632 = tpu.memref_slice %arg2[%select_n3A, %dma_start3A_631] : memref<8x128xf32, #tpu.memory_space<hbm>> -> memref<1x128xf32, #tpu.memory_space<hbm>>
      %dma_start3A_633 = tpu.memref_squeeze %dma_start3A_632 : memref<1x128xf32, #tpu.memory_space<hbm>> -> memref<128xf32, #tpu.memory_space<hbm>>
      tpu.enqueue_dma source(%dma_start3A_633 : memref<128xf32, #tpu.memory_space<hbm>>) target(%arg8 : memref<128xf32, #tpu.memory_space<vmem>>) target_semaphore(%run_scoped3A : memref<!tpu.dma_semaphore, #tpu.memory_space<semaphore_mem>>)
      %dma_wait3A_634 = arith.constant 0 : i32
      %dma_wait3A_635 = tpu.memref_slice %arg2[%select_n3A, %dma_wait3A_634] : memref<8x128xf32, #tpu.memory_space<hbm>> -> memref<1x128xf32, #tpu.memory_space<hbm>>
      %dma_wait3A_636 = tpu.memref_squeeze %dma_wait3A_635 : memref<1x128xf32, #tpu.memory_space<hbm>> -> memref<128xf32, #tpu.memory_space<hbm>>
      %dma_wait3A_637 = arith.constant 0 : i32
      %dma_wait3A_638 = tpu.memref_slice %arg2[%select_n3A, %dma_wait3A_637] : memref<8x128xf32, #tpu.memory_space<hbm>> -> memref<1x128xf32, #tpu.memory_space<hbm>>
      %dma_wait3A_639 = tpu.memref_squeeze %dma_wait3A_638 : memref<1x128xf32, #tpu.memory_space<hbm>> -> memref<128xf32, #tpu.memory_space<hbm>>
      tpu.wait_dma2 semaphore(%run_scoped3A : memref<!tpu.dma_semaphore, #tpu.memory_space<semaphore_mem>>) src(%dma_wait3A_639 : memref<128xf32, #tpu.memory_space<hbm>>) dst(%arg8 : memref<128xf32, #tpu.memory_space<vmem>>)
      tpu.yield
    }) : () -> ()
    "tpu.region"() ({
      %run_scoped3A = tpu.sem_alloc : memref<!tpu.dma_semaphore, #tpu.memory_space<semaphore_mem>>
      %dma_start3A_628 = arith.constant 0 : i32
      %dma_start3A_629 = tpu.memref_slice %arg3[%select_n3A, %dma_start3A_628] : memref<8x128xf32, #tpu.memory_space<hbm>> -> memref<1x128xf32, #tpu.memory_space<hbm>>
      %dma_start3A_630 = tpu.memref_squeeze %dma_start3A_629 : memref<1x128xf32, #tpu.memory_space<hbm>> -> memref<128xf32, #tpu.memory_space<hbm>>
      %dma_start3A_631 = arith.constant 0 : i32
      %dma_start3A_632 = tpu.memref_slice %arg3[%select_n3A, %dma_start3A_631] : memref<8x128xf32, #tpu.memory_space<hbm>> -> memref<1x128xf32, #tpu.memory_space<hbm>>
      %dma_start3A_633 = tpu.memref_squeeze %dma_start3A_632 : memref<1x128xf32, #tpu.memory_space<hbm>> -> memref<128xf32, #tpu.memory_space<hbm>>
      tpu.enqueue_dma source(%dma_start3A_633 : memref<128xf32, #tpu.memory_space<hbm>>) target(%arg17 : memref<128xf32, #tpu.memory_space<vmem>>) target_semaphore(%run_scoped3A : memref<!tpu.dma_semaphore, #tpu.memory_space<semaphore_mem>>)
      %dma_wait3A_634 = arith.constant 0 : i32
      %dma_wait3A_635 = tpu.memref_slice %arg3[%select_n3A, %dma_wait3A_634] : memref<8x128xf32, #tpu.memory_space<hbm>> -> memref<1x128xf32, #tpu.memory_space<hbm>>
      %dma_wait3A_636 = tpu.memref_squeeze %dma_wait3A_635 : memref<1x128xf32, #tpu.memory_space<hbm>> -> memref<128xf32, #tpu.memory_space<hbm>>
      %dma_wait3A_637 = arith.constant 0 : i32
      %dma_wait3A_638 = tpu.memref_slice %arg3[%select_n3A, %dma_wait3A_637] : memref<8x128xf32, #tpu.memory_space<hbm>> -> memref<1x128xf32, #tpu.memory_space<hbm>>
      %dma_wait3A_639 = tpu.memref_squeeze %dma_wait3A_638 : memref<1x128xf32, #tpu.memory_space<hbm>> -> memref<128xf32, #tpu.memory_space<hbm>>
      tpu.wait_dma2 semaphore(%run_scoped3A : memref<!tpu.dma_semaphore, #tpu.memory_space<semaphore_mem>>) src(%dma_wait3A_639 : memref<128xf32, #tpu.memory_space<hbm>>) dst(%arg17 : memref<128xf32, #tpu.memory_space<vmem>>)
      tpu.yield
    }) : () -> ()
    %add3A_33 = arith.constant 0 : i32
    %add3A_34 = vector.broadcast %add3A_33 : i32 to vector<16xi32>
    %add3A_35 = arith.addi %iota3A, %add3A_34 : vector<16xi32>
    %mul3A_36 = arith.constant 2 : i32
    %mul3A_37 = vector.broadcast %mul3A_36 : i32 to vector<16xi32>
    %mul3A_38 = arith.muli %add3A_35, %mul3A_37 : vector<16xi32>
    %gather3A = tpu.vector_load_idx %arg8[%mul3A_38] : memref<128xf32, #tpu.memory_space<vmem>>[vector<16xi32>], vector<16xf32>,
    %mul3A_39 = arith.constant 2.550000e+02 : f32
    %mul3A_40 = vector.broadcast %mul3A_39 : f32 to vector<16xf32>
    %mul3A_41 = arith.mulf %gather3A, %mul3A_40 : vector<16xf32>
    %add3A_42 = arith.constant 1 : i32
    %add3A_43 = vector.broadcast %add3A_42 : i32 to vector<16xi32>
    %add3A_44 = arith.addi %mul3A_38, %add3A_43 : vector<16xi32>
    %gather3A_45 = tpu.vector_load_idx %arg8[%add3A_44] : memref<128xf32, #tpu.memory_space<vmem>>[vector<16xi32>], vector<16xf32>,
    %mul3A_46 = arith.constant 2.550000e+02 : f32
    %mul3A_47 = vector.broadcast %mul3A_46 : f32 to vector<16xf32>
    %mul3A_48 = arith.mulf %gather3A_45, %mul3A_47 : vector<16xf32>
    %add3A_49 = arith.constant 0x4B400000 : f32
    %add3A_50 = vector.broadcast %add3A_49 : f32 to vector<16xf32>
    %add3A_51 = arith.addf %mul3A_41, %add3A_50 : vector<16xf32>
    %sub3A_52 = arith.constant 0x4B400000 : f32
    %sub3A_53 = vector.broadcast %sub3A_52 : f32 to vector<16xf32>
    %sub3A_54 = arith.subf %add3A_51, %sub3A_53 : vector<16xf32>
    %max3A = arith.constant 0.000000e+00 : f32
    %max3A_55 = vector.broadcast %max3A : f32 to vector<16xf32>
    %max3A_56 = arith.maximumf %sub3A_54, %max3A_55 : vector<16xf32>
    %min3A = arith.constant 2.550000e+02 : f32
    %min3A_57 = vector.broadcast %min3A : f32 to vector<16xf32>
    %min3A_58 = arith.minimumf %max3A_56, %min3A_57 : vector<16xf32>
    %add3A_59 = arith.constant 0x4B400000 : f32
    %add3A_60 = vector.broadcast %add3A_59 : f32 to vector<16xf32>
    %add3A_61 = arith.addf %mul3A_48, %add3A_60 : vector<16xf32>
    %sub3A_62 = arith.constant 0x4B400000 : f32
    %sub3A_63 = vector.broadcast %sub3A_62 : f32 to vector<16xf32>
    %sub3A_64 = arith.subf %add3A_61, %sub3A_63 : vector<16xf32>
    %max3A_65 = arith.constant 0.000000e+00 : f32
    %max3A_66 = vector.broadcast %max3A_65 : f32 to vector<16xf32>
    %max3A_67 = arith.maximumf %sub3A_64, %max3A_66 : vector<16xf32>
    %min3A_68 = arith.constant 2.550000e+02 : f32
    %min3A_69 = vector.broadcast %min3A_68 : f32 to vector<16xf32>
    %min3A_70 = arith.minimumf %max3A_67, %min3A_69 : vector<16xf32>
    %convert_element_type3A = arith.fptosi %min3A_58 : vector<16xf32> to vector<16xi32>
    %convert_element_type3A_71 = arith.fptosi %min3A_70 : vector<16xf32> to vector<16xi32>
    %swap3A = arith.constant 0 : index
    %swap3A_72 = tpu.vector_load %arg9[%swap3A] {strides = array<i32>} : memref<80xf32, #tpu.memory_space<vmem>>, vector<16xf32>,
    tpu.vector_store %arg9[%swap3A], %mul3A_41 {strides = array<i32>} : memref<80xf32, #tpu.memory_space<vmem>>, vector<16xf32>,
    %swap3A_73 = arith.constant 0 : index
    %swap3A_74 = tpu.vector_load %arg10[%swap3A_73] {strides = array<i32>} : memref<80xf32, #tpu.memory_space<vmem>>, vector<16xf32>,
    tpu.vector_store %arg10[%swap3A_73], %mul3A_48 {strides = array<i32>} : memref<80xf32, #tpu.memory_space<vmem>>, vector<16xf32>,
    %swap3A_75 = arith.constant 0 : index
    %swap3A_76 = tpu.vector_load %arg11[%swap3A_75] {strides = array<i32>} : memref<80xi32, #tpu.memory_space<vmem>>, vector<16xi32>,
    tpu.vector_store %arg11[%swap3A_75], %convert_element_type3A {strides = array<i32>} : memref<80xi32, #tpu.memory_space<vmem>>, vector<16xi32>,
    %swap3A_77 = arith.constant 0 : index
    %swap3A_78 = tpu.vector_load %arg12[%swap3A_77] {strides = array<i32>} : memref<80xi32, #tpu.memory_space<vmem>>, vector<16xi32>,
    tpu.vector_store %arg12[%swap3A_77], %convert_element_type3A_71 {strides = array<i32>} : memref<80xi32, #tpu.memory_space<vmem>>, vector<16xi32>,
    %sub3A_79 = arith.subf %mul3A_41, %min3A_58 : vector<16xf32>
    %swap3A_80 = arith.constant 0 : index
    %swap3A_81 = tpu.vector_load %arg13[%swap3A_80] {strides = array<i32>} : memref<64xf32, #tpu.memory_space<vmem>>, vector<16xf32>,
    tpu.vector_store %arg13[%swap3A_80], %sub3A_79 {strides = array<i32>} : memref<64xf32, #tpu.memory_space<vmem>>, vector<16xf32>,
    %sub3A_82 = arith.subf %mul3A_48, %min3A_70 : vector<16xf32>
    %swap3A_83 = arith.constant 0 : index
    %swap3A_84 = tpu.vector_load %arg14[%swap3A_83] {strides = array<i32>} : memref<64xf32, #tpu.memory_space<vmem>>, vector<16xf32>,
    tpu.vector_store %arg14[%swap3A_83], %sub3A_82 {strides = array<i32>} : memref<64xf32, #tpu.memory_space<vmem>>, vector<16xf32>,
    %mul3A_85 = arith.constant 256 : i32
    %mul3A_86 = vector.broadcast %mul3A_85 : i32 to vector<16xi32>
    %mul3A_87 = arith.muli %convert_element_type3A_71, %mul3A_86 : vector<16xi32>
    %add3A_88 = arith.addi %mul3A_87, %convert_element_type3A : vector<16xi32>
    %swap3A_89 = arith.constant 0 : index
    %swap3A_90 = tpu.vector_load %arg15[%swap3A_89] {strides = array<i32>} : memref<80xi32, #tpu.memory_space<vmem>>, vector<16xi32>,
    tpu.vector_store %arg15[%swap3A_89], %add3A_88 {strides = array<i32>} : memref<80xi32, #tpu.memory_space<vmem>>, vector<16xi32>,
    %swap3A_91 = arith.constant 0 : index
    %swap3A_92 = tpu.vector_load %arg16[%swap3A_91] {strides = array<i32>} : memref<64xi32, #tpu.memory_space<vmem>>, vector<16xi32>,
    tpu.vector_store %arg16[%swap3A_91], %convert_element_type3A_71 {strides = array<i32>} : memref<64xi32, #tpu.memory_space<vmem>>, vector<16xi32>,
    %add3A_93 = arith.constant 16 : i32
    %add3A_94 = vector.broadcast %add3A_93 : i32 to vector<16xi32>
    %add3A_95 = arith.addi %iota3A, %add3A_94 : vector<16xi32>
    %mul3A_96 = arith.constant 2 : i32
    %mul3A_97 = vector.broadcast %mul3A_96 : i32 to vector<16xi32>
    %mul3A_98 = arith.muli %add3A_95, %mul3A_97 : vector<16xi32>
    %gather3A_99 = tpu.vector_load_idx %arg8[%mul3A_98] : memref<128xf32, #tpu.memory_space<vmem>>[vector<16xi32>], vector<16xf32>,
    %mul3A_100 = arith.constant 2.550000e+02 : f32
    %mul3A_101 = vector.broadcast %mul3A_100 : f32 to vector<16xf32>
    %mul3A_102 = arith.mulf %gather3A_99, %mul3A_101 : vector<16xf32>
    %add3A_103 = arith.constant 1 : i32
    %add3A_104 = vector.broadcast %add3A_103 : i32 to vector<16xi32>
    %add3A_105 = arith.addi %mul3A_98, %add3A_104 : vector<16xi32>
    %gather3A_106 = tpu.vector_load_idx %arg8[%add3A_105] : memref<128xf32, #tpu.memory_space<vmem>>[vector<16xi32>], vector<16xf32>,
    %mul3A_107 = arith.constant 2.550000e+02 : f32
    %mul3A_108 = vector.broadcast %mul3A_107 : f32 to vector<16xf32>
    %mul3A_109 = arith.mulf %gather3A_106, %mul3A_108 : vector<16xf32>
    %add3A_110 = arith.constant 0x4B400000 : f32
    %add3A_111 = vector.broadcast %add3A_110 : f32 to vector<16xf32>
    %add3A_112 = arith.addf %mul3A_102, %add3A_111 : vector<16xf32>
    %sub3A_113 = arith.constant 0x4B400000 : f32
    %sub3A_114 = vector.broadcast %sub3A_113 : f32 to vector<16xf32>
    %sub3A_115 = arith.subf %add3A_112, %sub3A_114 : vector<16xf32>
    %max3A_116 = arith.constant 0.000000e+00 : f32
    %max3A_117 = vector.broadcast %max3A_116 : f32 to vector<16xf32>
    %max3A_118 = arith.maximumf %sub3A_115, %max3A_117 : vector<16xf32>
    %min3A_119 = arith.constant 2.550000e+02 : f32
    %min3A_120 = vector.broadcast %min3A_119 : f32 to vector<16xf32>
    %min3A_121 = arith.minimumf %max3A_118, %min3A_120 : vector<16xf32>
    %add3A_122 = arith.constant 0x4B400000 : f32
    %add3A_123 = vector.broadcast %add3A_122 : f32 to vector<16xf32>
    %add3A_124 = arith.addf %mul3A_109, %add3A_123 : vector<16xf32>
    %sub3A_125 = arith.constant 0x4B400000 : f32
    %sub3A_126 = vector.broadcast %sub3A_125 : f32 to vector<16xf32>
    %sub3A_127 = arith.subf %add3A_124, %sub3A_126 : vector<16xf32>
    %max3A_128 = arith.constant 0.000000e+00 : f32
    %max3A_129 = vector.broadcast %max3A_128 : f32 to vector<16xf32>
    %max3A_130 = arith.maximumf %sub3A_127, %max3A_129 : vector<16xf32>
    %min3A_131 = arith.constant 2.550000e+02 : f32
    %min3A_132 = vector.broadcast %min3A_131 : f32 to vector<16xf32>
    %min3A_133 = arith.minimumf %max3A_130, %min3A_132 : vector<16xf32>
    %convert_element_type3A_134 = arith.fptosi %min3A_121 : vector<16xf32> to vector<16xi32>
    %convert_element_type3A_135 = arith.fptosi %min3A_133 : vector<16xf32> to vector<16xi32>
    %swap3A_136 = arith.constant 16 : index
    %swap3A_137 = tpu.vector_load %arg9[%swap3A_136] {strides = array<i32>} : memref<80xf32, #tpu.memory_space<vmem>>, vector<16xf32>,
    tpu.vector_store %arg9[%swap3A_136], %mul3A_102 {strides = array<i32>} : memref<80xf32, #tpu.memory_space<vmem>>, vector<16xf32>,
    %swap3A_138 = arith.constant 16 : index
    %swap3A_139 = tpu.vector_load %arg10[%swap3A_138] {strides = array<i32>} : memref<80xf32, #tpu.memory_space<vmem>>, vector<16xf32>,
    tpu.vector_store %arg10[%swap3A_138], %mul3A_109 {strides = array<i32>} : memref<80xf32, #tpu.memory_space<vmem>>, vector<16xf32>,
    %swap3A_140 = arith.constant 16 : index
    %swap3A_141 = tpu.vector_load %arg11[%swap3A_140] {strides = array<i32>} : memref<80xi32, #tpu.memory_space<vmem>>, vector<16xi32>,
    tpu.vector_store %arg11[%swap3A_140], %convert_element_type3A_134 {strides = array<i32>} : memref<80xi32, #tpu.memory_space<vmem>>, vector<16xi32>,
    %swap3A_142 = arith.constant 16 : index
    %swap3A_143 = tpu.vector_load %arg12[%swap3A_142] {strides = array<i32>} : memref<80xi32, #tpu.memory_space<vmem>>, vector<16xi32>,
    tpu.vector_store %arg12[%swap3A_142], %convert_element_type3A_135 {strides = array<i32>} : memref<80xi32, #tpu.memory_space<vmem>>, vector<16xi32>,
    %sub3A_144 = arith.subf %mul3A_102, %min3A_121 : vector<16xf32>
    %swap3A_145 = arith.constant 16 : index
    %swap3A_146 = tpu.vector_load %arg13[%swap3A_145] {strides = array<i32>} : memref<64xf32, #tpu.memory_space<vmem>>, vector<16xf32>,
    tpu.vector_store %arg13[%swap3A_145], %sub3A_144 {strides = array<i32>} : memref<64xf32, #tpu.memory_space<vmem>>, vector<16xf32>,
    %sub3A_147 = arith.subf %mul3A_109, %min3A_133 : vector<16xf32>
    %swap3A_148 = arith.constant 16 : index
    %swap3A_149 = tpu.vector_load %arg14[%swap3A_148] {strides = array<i32>} : memref<64xf32, #tpu.memory_space<vmem>>, vector<16xf32>,
    tpu.vector_store %arg14[%swap3A_148], %sub3A_147 {strides = array<i32>} : memref<64xf32, #tpu.memory_space<vmem>>, vector<16xf32>,
    %mul3A_150 = arith.constant 256 : i32
    %mul3A_151 = vector.broadcast %mul3A_150 : i32 to vector<16xi32>
    %mul3A_152 = arith.muli %convert_element_type3A_135, %mul3A_151 : vector<16xi32>
    %add3A_153 = arith.addi %mul3A_152, %convert_element_type3A_134 : vector<16xi32>
    %swap3A_154 = arith.constant 16 : index
    %swap3A_155 = tpu.vector_load %arg15[%swap3A_154] {strides = array<i32>} : memref<80xi32, #tpu.memory_space<vmem>>, vector<16xi32>,
    tpu.vector_store %arg15[%swap3A_154], %add3A_153 {strides = array<i32>} : memref<80xi32, #tpu.memory_space<vmem>>, vector<16xi32>,
    %swap3A_156 = arith.constant 16 : index
    %swap3A_157 = tpu.vector_load %arg16[%swap3A_156] {strides = array<i32>} : memref<64xi32, #tpu.memory_space<vmem>>, vector<16xi32>,
    tpu.vector_store %arg16[%swap3A_156], %convert_element_type3A_135 {strides = array<i32>} : memref<64xi32, #tpu.memory_space<vmem>>, vector<16xi32>,
    %add3A_158 = arith.constant 32 : i32
    %add3A_159 = vector.broadcast %add3A_158 : i32 to vector<16xi32>
    %add3A_160 = arith.addi %iota3A, %add3A_159 : vector<16xi32>
    %mul3A_161 = arith.constant 2 : i32
    %mul3A_162 = vector.broadcast %mul3A_161 : i32 to vector<16xi32>
    %mul3A_163 = arith.muli %add3A_160, %mul3A_162 : vector<16xi32>
    %gather3A_164 = tpu.vector_load_idx %arg8[%mul3A_163] : memref<128xf32, #tpu.memory_space<vmem>>[vector<16xi32>], vector<16xf32>,
    %mul3A_165 = arith.constant 2.550000e+02 : f32
    %mul3A_166 = vector.broadcast %mul3A_165 : f32 to vector<16xf32>
    %mul3A_167 = arith.mulf %gather3A_164, %mul3A_166 : vector<16xf32>
    %add3A_168 = arith.constant 1 : i32
    %add3A_169 = vector.broadcast %add3A_168 : i32 to vector<16xi32>
    %add3A_170 = arith.addi %mul3A_163, %add3A_169 : vector<16xi32>
    %gather3A_171 = tpu.vector_load_idx %arg8[%add3A_170] : memref<128xf32, #tpu.memory_space<vmem>>[vector<16xi32>], vector<16xf32>,
    %mul3A_172 = arith.constant 2.550000e+02 : f32
    %mul3A_173 = vector.broadcast %mul3A_172 : f32 to vector<16xf32>
    %mul3A_174 = arith.mulf %gather3A_171, %mul3A_173 : vector<16xf32>
    %add3A_175 = arith.constant 0x4B400000 : f32
    %add3A_176 = vector.broadcast %add3A_175 : f32 to vector<16xf32>
    %add3A_177 = arith.addf %mul3A_167, %add3A_176 : vector<16xf32>
    %sub3A_178 = arith.constant 0x4B400000 : f32
    %sub3A_179 = vector.broadcast %sub3A_178 : f32 to vector<16xf32>
    %sub3A_180 = arith.subf %add3A_177, %sub3A_179 : vector<16xf32>
    %max3A_181 = arith.constant 0.000000e+00 : f32
    %max3A_182 = vector.broadcast %max3A_181 : f32 to vector<16xf32>
    %max3A_183 = arith.maximumf %sub3A_180, %max3A_182 : vector<16xf32>
    %min3A_184 = arith.constant 2.550000e+02 : f32
    %min3A_185 = vector.broadcast %min3A_184 : f32 to vector<16xf32>
    %min3A_186 = arith.minimumf %max3A_183, %min3A_185 : vector<16xf32>
    %add3A_187 = arith.constant 0x4B400000 : f32
    %add3A_188 = vector.broadcast %add3A_187 : f32 to vector<16xf32>
    %add3A_189 = arith.addf %mul3A_174, %add3A_188 : vector<16xf32>
    %sub3A_190 = arith.constant 0x4B400000 : f32
    %sub3A_191 = vector.broadcast %sub3A_190 : f32 to vector<16xf32>
    %sub3A_192 = arith.subf %add3A_189, %sub3A_191 : vector<16xf32>
    %max3A_193 = arith.constant 0.000000e+00 : f32
    %max3A_194 = vector.broadcast %max3A_193 : f32 to vector<16xf32>
    %max3A_195 = arith.maximumf %sub3A_192, %max3A_194 : vector<16xf32>
    %min3A_196 = arith.constant 2.550000e+02 : f32
    %min3A_197 = vector.broadcast %min3A_196 : f32 to vector<16xf32>
    %min3A_198 = arith.minimumf %max3A_195, %min3A_197 : vector<16xf32>
    %convert_element_type3A_199 = arith.fptosi %min3A_186 : vector<16xf32> to vector<16xi32>
    %convert_element_type3A_200 = arith.fptosi %min3A_198 : vector<16xf32> to vector<16xi32>
    %swap3A_201 = arith.constant 32 : index
    %swap3A_202 = tpu.vector_load %arg9[%swap3A_201] {strides = array<i32>} : memref<80xf32, #tpu.memory_space<vmem>>, vector<16xf32>,
    tpu.vector_store %arg9[%swap3A_201], %mul3A_167 {strides = array<i32>} : memref<80xf32, #tpu.memory_space<vmem>>, vector<16xf32>,
    %swap3A_203 = arith.constant 32 : index
    %swap3A_204 = tpu.vector_load %arg10[%swap3A_203] {strides = array<i32>} : memref<80xf32, #tpu.memory_space<vmem>>, vector<16xf32>,
    tpu.vector_store %arg10[%swap3A_203], %mul3A_174 {strides = array<i32>} : memref<80xf32, #tpu.memory_space<vmem>>, vector<16xf32>,
    %swap3A_205 = arith.constant 32 : index
    %swap3A_206 = tpu.vector_load %arg11[%swap3A_205] {strides = array<i32>} : memref<80xi32, #tpu.memory_space<vmem>>, vector<16xi32>,
    tpu.vector_store %arg11[%swap3A_205], %convert_element_type3A_199 {strides = array<i32>} : memref<80xi32, #tpu.memory_space<vmem>>, vector<16xi32>,
    %swap3A_207 = arith.constant 32 : index
    %swap3A_208 = tpu.vector_load %arg12[%swap3A_207] {strides = array<i32>} : memref<80xi32, #tpu.memory_space<vmem>>, vector<16xi32>,
    tpu.vector_store %arg12[%swap3A_207], %convert_element_type3A_200 {strides = array<i32>} : memref<80xi32, #tpu.memory_space<vmem>>, vector<16xi32>,
    %sub3A_209 = arith.subf %mul3A_167, %min3A_186 : vector<16xf32>
    %swap3A_210 = arith.constant 32 : index
    %swap3A_211 = tpu.vector_load %arg13[%swap3A_210] {strides = array<i32>} : memref<64xf32, #tpu.memory_space<vmem>>, vector<16xf32>,
    tpu.vector_store %arg13[%swap3A_210], %sub3A_209 {strides = array<i32>} : memref<64xf32, #tpu.memory_space<vmem>>, vector<16xf32>,
    %sub3A_212 = arith.subf %mul3A_174, %min3A_198 : vector<16xf32>
    %swap3A_213 = arith.constant 32 : index
    %swap3A_214 = tpu.vector_load %arg14[%swap3A_213] {strides = array<i32>} : memref<64xf32, #tpu.memory_space<vmem>>, vector<16xf32>,
    tpu.vector_store %arg14[%swap3A_213], %sub3A_212 {strides = array<i32>} : memref<64xf32, #tpu.memory_space<vmem>>, vector<16xf32>,
    %mul3A_215 = arith.constant 256 : i32
    %mul3A_216 = vector.broadcast %mul3A_215 : i32 to vector<16xi32>
    %mul3A_217 = arith.muli %convert_element_type3A_200, %mul3A_216 : vector<16xi32>
    %add3A_218 = arith.addi %mul3A_217, %convert_element_type3A_199 : vector<16xi32>
    %swap3A_219 = arith.constant 32 : index
    %swap3A_220 = tpu.vector_load %arg15[%swap3A_219] {strides = array<i32>} : memref<80xi32, #tpu.memory_space<vmem>>, vector<16xi32>,
    tpu.vector_store %arg15[%swap3A_219], %add3A_218 {strides = array<i32>} : memref<80xi32, #tpu.memory_space<vmem>>, vector<16xi32>,
    %swap3A_221 = arith.constant 32 : index
    %swap3A_222 = tpu.vector_load %arg16[%swap3A_221] {strides = array<i32>} : memref<64xi32, #tpu.memory_space<vmem>>, vector<16xi32>,
    tpu.vector_store %arg16[%swap3A_221], %convert_element_type3A_200 {strides = array<i32>} : memref<64xi32, #tpu.memory_space<vmem>>, vector<16xi32>,
    %add3A_223 = arith.constant 48 : i32
    %add3A_224 = vector.broadcast %add3A_223 : i32 to vector<16xi32>
    %add3A_225 = arith.addi %iota3A, %add3A_224 : vector<16xi32>
    %mul3A_226 = arith.constant 2 : i32
    %mul3A_227 = vector.broadcast %mul3A_226 : i32 to vector<16xi32>
    %mul3A_228 = arith.muli %add3A_225, %mul3A_227 : vector<16xi32>
    %gather3A_229 = tpu.vector_load_idx %arg8[%mul3A_228] : memref<128xf32, #tpu.memory_space<vmem>>[vector<16xi32>], vector<16xf32>,
    %mul3A_230 = arith.constant 2.550000e+02 : f32
    %mul3A_231 = vector.broadcast %mul3A_230 : f32 to vector<16xf32>
    %mul3A_232 = arith.mulf %gather3A_229, %mul3A_231 : vector<16xf32>
    %add3A_233 = arith.constant 1 : i32
    %add3A_234 = vector.broadcast %add3A_233 : i32 to vector<16xi32>
    %add3A_235 = arith.addi %mul3A_228, %add3A_234 : vector<16xi32>
    %gather3A_236 = tpu.vector_load_idx %arg8[%add3A_235] : memref<128xf32, #tpu.memory_space<vmem>>[vector<16xi32>], vector<16xf32>,
    %mul3A_237 = arith.constant 2.550000e+02 : f32
    %mul3A_238 = vector.broadcast %mul3A_237 : f32 to vector<16xf32>
    %mul3A_239 = arith.mulf %gather3A_236, %mul3A_238 : vector<16xf32>
    %add3A_240 = arith.constant 0x4B400000 : f32
    %add3A_241 = vector.broadcast %add3A_240 : f32 to vector<16xf32>
    %add3A_242 = arith.addf %mul3A_232, %add3A_241 : vector<16xf32>
    %sub3A_243 = arith.constant 0x4B400000 : f32
    %sub3A_244 = vector.broadcast %sub3A_243 : f32 to vector<16xf32>
    %sub3A_245 = arith.subf %add3A_242, %sub3A_244 : vector<16xf32>
    %max3A_246 = arith.constant 0.000000e+00 : f32
    %max3A_247 = vector.broadcast %max3A_246 : f32 to vector<16xf32>
    %max3A_248 = arith.maximumf %sub3A_245, %max3A_247 : vector<16xf32>
    %min3A_249 = arith.constant 2.550000e+02 : f32
    %min3A_250 = vector.broadcast %min3A_249 : f32 to vector<16xf32>
    %min3A_251 = arith.minimumf %max3A_248, %min3A_250 : vector<16xf32>
    %add3A_252 = arith.constant 0x4B400000 : f32
    %add3A_253 = vector.broadcast %add3A_252 : f32 to vector<16xf32>
    %add3A_254 = arith.addf %mul3A_239, %add3A_253 : vector<16xf32>
    %sub3A_255 = arith.constant 0x4B400000 : f32
    %sub3A_256 = vector.broadcast %sub3A_255 : f32 to vector<16xf32>
    %sub3A_257 = arith.subf %add3A_254, %sub3A_256 : vector<16xf32>
    %max3A_258 = arith.constant 0.000000e+00 : f32
    %max3A_259 = vector.broadcast %max3A_258 : f32 to vector<16xf32>
    %max3A_260 = arith.maximumf %sub3A_257, %max3A_259 : vector<16xf32>
    %min3A_261 = arith.constant 2.550000e+02 : f32
    %min3A_262 = vector.broadcast %min3A_261 : f32 to vector<16xf32>
    %min3A_263 = arith.minimumf %max3A_260, %min3A_262 : vector<16xf32>
    %convert_element_type3A_264 = arith.fptosi %min3A_251 : vector<16xf32> to vector<16xi32>
    %convert_element_type3A_265 = arith.fptosi %min3A_263 : vector<16xf32> to vector<16xi32>
    %swap3A_266 = arith.constant 48 : index
    %swap3A_267 = tpu.vector_load %arg9[%swap3A_266] {strides = array<i32>} : memref<80xf32, #tpu.memory_space<vmem>>, vector<16xf32>,
    tpu.vector_store %arg9[%swap3A_266], %mul3A_232 {strides = array<i32>} : memref<80xf32, #tpu.memory_space<vmem>>, vector<16xf32>,
    %swap3A_268 = arith.constant 48 : index
    %swap3A_269 = tpu.vector_load %arg10[%swap3A_268] {strides = array<i32>} : memref<80xf32, #tpu.memory_space<vmem>>, vector<16xf32>,
    tpu.vector_store %arg10[%swap3A_268], %mul3A_239 {strides = array<i32>} : memref<80xf32, #tpu.memory_space<vmem>>, vector<16xf32>,
    %swap3A_270 = arith.constant 48 : index
    %swap3A_271 = tpu.vector_load %arg11[%swap3A_270] {strides = array<i32>} : memref<80xi32, #tpu.memory_space<vmem>>, vector<16xi32>,
    tpu.vector_store %arg11[%swap3A_270], %convert_element_type3A_264 {strides = array<i32>} : memref<80xi32, #tpu.memory_space<vmem>>, vector<16xi32>,
    %swap3A_272 = arith.constant 48 : index
    %swap3A_273 = tpu.vector_load %arg12[%swap3A_272] {strides = array<i32>} : memref<80xi32, #tpu.memory_space<vmem>>, vector<16xi32>,
    tpu.vector_store %arg12[%swap3A_272], %convert_element_type3A_265 {strides = array<i32>} : memref<80xi32, #tpu.memory_space<vmem>>, vector<16xi32>,
    %sub3A_274 = arith.subf %mul3A_232, %min3A_251 : vector<16xf32>
    %swap3A_275 = arith.constant 48 : index
    %swap3A_276 = tpu.vector_load %arg13[%swap3A_275] {strides = array<i32>} : memref<64xf32, #tpu.memory_space<vmem>>, vector<16xf32>,
    tpu.vector_store %arg13[%swap3A_275], %sub3A_274 {strides = array<i32>} : memref<64xf32, #tpu.memory_space<vmem>>, vector<16xf32>,
    %sub3A_277 = arith.subf %mul3A_239, %min3A_263 : vector<16xf32>
    %swap3A_278 = arith.constant 48 : index
    %swap3A_279 = tpu.vector_load %arg14[%swap3A_278] {strides = array<i32>} : memref<64xf32, #tpu.memory_space<vmem>>, vector<16xf32>,
    tpu.vector_store %arg14[%swap3A_278], %sub3A_277 {strides = array<i32>} : memref<64xf32, #tpu.memory_space<vmem>>, vector<16xf32>,
    %mul3A_280 = arith.constant 256 : i32
    %mul3A_281 = vector.broadcast %mul3A_280 : i32 to vector<16xi32>
    %mul3A_282 = arith.muli %convert_element_type3A_265, %mul3A_281 : vector<16xi32>
    %add3A_283 = arith.addi %mul3A_282, %convert_element_type3A_264 : vector<16xi32>
    %swap3A_284 = arith.constant 48 : index
    %swap3A_285 = tpu.vector_load %arg15[%swap3A_284] {strides = array<i32>} : memref<80xi32, #tpu.memory_space<vmem>>, vector<16xi32>,
    tpu.vector_store %arg15[%swap3A_284], %add3A_283 {strides = array<i32>} : memref<80xi32, #tpu.memory_space<vmem>>, vector<16xi32>,
    %swap3A_286 = arith.constant 48 : index
    %swap3A_287 = tpu.vector_load %arg16[%swap3A_286] {strides = array<i32>} : memref<64xi32, #tpu.memory_space<vmem>>, vector<16xi32>,
    tpu.vector_store %arg16[%swap3A_286], %convert_element_type3A_265 {strides = array<i32>} : memref<64xi32, #tpu.memory_space<vmem>>, vector<16xi32>,
    %broadcast_in_dim3A = arith.constant 0.000000e+00 : f32
    %broadcast_in_dim3A_288 = vector.broadcast %broadcast_in_dim3A : f32 to vector<16xf32>
    %scan3A = arith.constant 0 : i32
    %scan3A_289 = arith.constant 0 : i32
    %scan3A_290 = arith.constant 64 : i32
    %scan3A_291 = arith.addi %scan3A_289, %scan3A_290 : i32
    %scan3A_292 = arith.constant 1 : i32
    %scan3A_293 = scf.for %scan3A_628 = %scan3A_289 to %scan3A_291 step %scan3A_292 iter_args(%scan3A_629 = %scan3A) -> (i32)  : i32 {
      %swap3A_630 = arith.index_cast %scan3A_628 : i32 to index
      %swap3A_631 = arith.constant 0 : index
      %swap3A_632 = tpu.vector_load %arg21[%swap3A_630, %swap3A_631] {strides = array<i32>} : memref<65x256xf32, #tpu.memory_space<vmem>>, vector<16xf32>,
      tpu.vector_store %arg21[%swap3A_630, %swap3A_631], %broadcast_in_dim3A_288 {strides = array<i32>} : memref<65x256xf32, #tpu.memory_space<vmem>>, vector<16xf32>,
      %swap3A_633 = arith.index_cast %scan3A_628 : i32 to index
      %swap3A_634 = arith.constant 16 : index
      %swap3A_635 = tpu.vector_load %arg21[%swap3A_633, %swap3A_634] {strides = array<i32>} : memref<65x256xf32, #tpu.memory_space<vmem>>, vector<16xf32>,
      tpu.vector_store %arg21[%swap3A_633, %swap3A_634], %broadcast_in_dim3A_288 {strides = array<i32>} : memref<65x256xf32, #tpu.memory_space<vmem>>, vector<16xf32>,
      %swap3A_636 = arith.index_cast %scan3A_628 : i32 to index
      %swap3A_637 = arith.constant 32 : index
      %swap3A_638 = tpu.vector_load %arg21[%swap3A_636, %swap3A_637] {strides = array<i32>} : memref<65x256xf32, #tpu.memory_space<vmem>>, vector<16xf32>,
      tpu.vector_store %arg21[%swap3A_636, %swap3A_637], %broadcast_in_dim3A_288 {strides = array<i32>} : memref<65x256xf32, #tpu.memory_space<vmem>>, vector<16xf32>,
      %swap3A_639 = arith.index_cast %scan3A_628 : i32 to index
      %swap3A_640 = arith.constant 48 : index
      %swap3A_641 = tpu.vector_load %arg21[%swap3A_639, %swap3A_640] {strides = array<i32>} : memref<65x256xf32, #tpu.memory_space<vmem>>, vector<16xf32>,
      tpu.vector_store %arg21[%swap3A_639, %swap3A_640], %broadcast_in_dim3A_288 {strides = array<i32>} : memref<65x256xf32, #tpu.memory_space<vmem>>, vector<16xf32>,
      %swap3A_642 = arith.index_cast %scan3A_628 : i32 to index
      %swap3A_643 = arith.constant 64 : index
      %swap3A_644 = tpu.vector_load %arg21[%swap3A_642, %swap3A_643] {strides = array<i32>} : memref<65x256xf32, #tpu.memory_space<vmem>>, vector<16xf32>,
      tpu.vector_store %arg21[%swap3A_642, %swap3A_643], %broadcast_in_dim3A_288 {strides = array<i32>} : memref<65x256xf32, #tpu.memory_space<vmem>>, vector<16xf32>,
      %swap3A_645 = arith.index_cast %scan3A_628 : i32 to index
      %swap3A_646 = arith.constant 80 : index
      %swap3A_647 = tpu.vector_load %arg21[%swap3A_645, %swap3A_646] {strides = array<i32>} : memref<65x256xf32, #tpu.memory_space<vmem>>, vector<16xf32>,
      tpu.vector_store %arg21[%swap3A_645, %swap3A_646], %broadcast_in_dim3A_288 {strides = array<i32>} : memref<65x256xf32, #tpu.memory_space<vmem>>, vector<16xf32>,
      %swap3A_648 = arith.index_cast %scan3A_628 : i32 to index
      %swap3A_649 = arith.constant 96 : index
      %swap3A_650 = tpu.vector_load %arg21[%swap3A_648, %swap3A_649] {strides = array<i32>} : memref<65x256xf32, #tpu.memory_space<vmem>>, vector<16xf32>,
      tpu.vector_store %arg21[%swap3A_648, %swap3A_649], %broadcast_in_dim3A_288 {strides = array<i32>} : memref<65x256xf32, #tpu.memory_space<vmem>>, vector<16xf32>,
      %swap3A_651 = arith.index_cast %scan3A_628 : i32 to index
      %swap3A_652 = arith.constant 112 : index
      %swap3A_653 = tpu.vector_load %arg21[%swap3A_651, %swap3A_652] {strides = array<i32>} : memref<65x256xf32, #tpu.memory_space<vmem>>, vector<16xf32>,
      tpu.vector_store %arg21[%swap3A_651, %swap3A_652], %broadcast_in_dim3A_288 {strides = array<i32>} : memref<65x256xf32, #tpu.memory_space<vmem>>, vector<16xf32>,
      %swap3A_654 = arith.index_cast %scan3A_628 : i32 to index
      %swap3A_655 = arith.constant 128 : index
      %swap3A_656 = tpu.vector_load %arg21[%swap3A_654, %swap3A_655] {strides = array<i32>} : memref<65x256xf32, #tpu.memory_space<vmem>>, vector<16xf32>,
      tpu.vector_store %arg21[%swap3A_654, %swap3A_655], %broadcast_in_dim3A_288 {strides = array<i32>} : memref<65x256xf32, #tpu.memory_space<vmem>>, vector<16xf32>,
      %swap3A_657 = arith.index_cast %scan3A_628 : i32 to index
      %swap3A_658 = arith.constant 144 : index
      %swap3A_659 = tpu.vector_load %arg21[%swap3A_657, %swap3A_658] {strides = array<i32>} : memref<65x256xf32, #tpu.memory_space<vmem>>, vector<16xf32>,
      tpu.vector_store %arg21[%swap3A_657, %swap3A_658], %broadcast_in_dim3A_288 {strides = array<i32>} : memref<65x256xf32, #tpu.memory_space<vmem>>, vector<16xf32>,
      %swap3A_660 = arith.index_cast %scan3A_628 : i32 to index
      %swap3A_661 = arith.constant 160 : index
      %swap3A_662 = tpu.vector_load %arg21[%swap3A_660, %swap3A_661] {strides = array<i32>} : memref<65x256xf32, #tpu.memory_space<vmem>>, vector<16xf32>,
      tpu.vector_store %arg21[%swap3A_660, %swap3A_661], %broadcast_in_dim3A_288 {strides = array<i32>} : memref<65x256xf32, #tpu.memory_space<vmem>>, vector<16xf32>,
      %swap3A_663 = arith.index_cast %scan3A_628 : i32 to index
      %swap3A_664 = arith.constant 176 : index
      %swap3A_665 = tpu.vector_load %arg21[%swap3A_663, %swap3A_664] {strides = array<i32>} : memref<65x256xf32, #tpu.memory_space<vmem>>, vector<16xf32>,
      tpu.vector_store %arg21[%swap3A_663, %swap3A_664], %broadcast_in_dim3A_288 {strides = array<i32>} : memref<65x256xf32, #tpu.memory_space<vmem>>, vector<16xf32>,
      %swap3A_666 = arith.index_cast %scan3A_628 : i32 to index
      %swap3A_667 = arith.constant 192 : index
      %swap3A_668 = tpu.vector_load %arg21[%swap3A_666, %swap3A_667] {strides = array<i32>} : memref<65x256xf32, #tpu.memory_space<vmem>>, vector<16xf32>,
      tpu.vector_store %arg21[%swap3A_666, %swap3A_667], %broadcast_in_dim3A_288 {strides = array<i32>} : memref<65x256xf32, #tpu.memory_space<vmem>>, vector<16xf32>,
      %swap3A_669 = arith.index_cast %scan3A_628 : i32 to index
      %swap3A_670 = arith.constant 208 : index
      %swap3A_671 = tpu.vector_load %arg21[%swap3A_669, %swap3A_670] {strides = array<i32>} : memref<65x256xf32, #tpu.memory_space<vmem>>, vector<16xf32>,
      tpu.vector_store %arg21[%swap3A_669, %swap3A_670], %broadcast_in_dim3A_288 {strides = array<i32>} : memref<65x256xf32, #tpu.memory_space<vmem>>, vector<16xf32>,
      %swap3A_672 = arith.index_cast %scan3A_628 : i32 to index
      %swap3A_673 = arith.constant 224 : index
      %swap3A_674 = tpu.vector_load %arg21[%swap3A_672, %swap3A_673] {strides = array<i32>} : memref<65x256xf32, #tpu.memory_space<vmem>>, vector<16xf32>,
      tpu.vector_store %arg21[%swap3A_672, %swap3A_673], %broadcast_in_dim3A_288 {strides = array<i32>} : memref<65x256xf32, #tpu.memory_space<vmem>>, vector<16xf32>,
      %swap3A_675 = arith.index_cast %scan3A_628 : i32 to index
      %swap3A_676 = arith.constant 240 : index
      %swap3A_677 = tpu.vector_load %arg21[%swap3A_675, %swap3A_676] {strides = array<i32>} : memref<65x256xf32, #tpu.memory_space<vmem>>, vector<16xf32>,
      tpu.vector_store %arg21[%swap3A_675, %swap3A_676], %broadcast_in_dim3A_288 {strides = array<i32>} : memref<65x256xf32, #tpu.memory_space<vmem>>, vector<16xf32>,
      %scan3A_678 = arith.constant 0 : i32
      scf.yield %scan3A_678 : i32
    }
    %scan3A_294 = arith.constant 64 : i32
    %scan3A_295 = arith.constant 0 : i32
    %scan3A_296 = arith.constant 0 : i32
    %scan3A_297 = arith.constant 64 : i32
    %scan3A_298 = arith.addi %scan3A_296, %scan3A_297 : i32
    %scan3A_299 = arith.constant 1 : i32
    %scan3A_300 = scf.for %scan3A_628 = %scan3A_296 to %scan3A_298 step %scan3A_299 iter_args(%scan3A_629 = %scan3A_295) -> (i32)  : i32 {
      %get3A_630 = arith.index_cast %scan3A_628 : i32 to index
      %get3A_631 = tpu.vector_load %arg11[%get3A_630] {strides = array<i32>} : memref<80xi32, #tpu.memory_space<vmem>>, vector<16xi32>,
      %slice3A = vector.extract_strided_slice %get3A_631 {offsets = [0], sizes = [1], strides = [1]} : vector<16xi32> to vector<1xi32>
      %squeeze3A = vector.extract %slice3A[0] : i32 from vector<1xi32>
      %get3A_632 = arith.index_cast %scan3A_628 : i32 to index
      %get3A_633 = tpu.vector_load %arg12[%get3A_632] {strides = array<i32>} : memref<80xi32, #tpu.memory_space<vmem>>, vector<16xi32>,
      %slice3A_634 = vector.extract_strided_slice %get3A_633 {offsets = [0], sizes = [1], strides = [1]} : vector<16xi32> to vector<1xi32>
      %squeeze3A_635 = vector.extract %slice3A_634[0] : i32 from vector<1xi32>
      %get3A_636 = arith.index_cast %scan3A_628 : i32 to index
      %get3A_637 = tpu.vector_load %arg9[%get3A_636] {strides = array<i32>} : memref<80xf32, #tpu.memory_space<vmem>>, vector<16xf32>,
      %slice3A_638 = vector.extract_strided_slice %get3A_637 {offsets = [0], sizes = [1], strides = [1]} : vector<16xf32> to vector<1xf32>
      %squeeze3A_639 = vector.extract %slice3A_638[0] : f32 from vector<1xf32>
      %get3A_640 = arith.index_cast %scan3A_628 : i32 to index
      %get3A_641 = tpu.vector_load %arg10[%get3A_640] {strides = array<i32>} : memref<80xf32, #tpu.memory_space<vmem>>, vector<16xf32>,
      %slice3A_642 = vector.extract_strided_slice %get3A_641 {offsets = [0], sizes = [1], strides = [1]} : vector<16xf32> to vector<1xf32>
      %squeeze3A_643 = vector.extract %slice3A_642[0] : f32 from vector<1xf32>
      %sub3A_644 = arith.constant 7 : i32
      %sub3A_645 = arith.subi %squeeze3A_635, %sub3A_644 : i32
      %max3A_646 = arith.maxsi %sub3A_645, %mul3A_32 : i32
      %add3A_647 = arith.constant 7 : i32
      %add3A_648 = arith.addi %squeeze3A_635, %add3A_647 : i32
      %add3A_649 = arith.constant 1 : i32
      %add3A_650 = arith.addi %add3A_648, %add3A_649 : i32
      %add3A_651 = arith.constant 64 : i32
      %add3A_652 = arith.addi %mul3A_32, %add3A_651 : i32
      %min3A_653 = arith.minsi %add3A_650, %add3A_652 : i32
      %sub3A_654 = arith.constant 7 : i32
      %sub3A_655 = arith.subi %squeeze3A, %sub3A_654 : i32
      %add3A_656 = vector.broadcast %sub3A_655 : i32 to vector<16xi32>
      %add3A_657 = arith.addi %add3A_656, %iota3A : vector<16xi32>
      %ge3A_658 = arith.constant 0 : i32
      %ge3A_659 = vector.broadcast %ge3A_658 : i32 to vector<16xi32>
      %ge3A_660 = arith.cmpi sge, %add3A_657, %ge3A_659 : vector<16xi32>
      %le3A = arith.constant 255 : i32
      %le3A_661 = vector.broadcast %le3A : i32 to vector<16xi32>
      %le3A_662 = arith.cmpi sle, %add3A_657, %le3A_661 : vector<16xi32>
      %and3A_663 = arith.andi %ge3A_660, %le3A_662 : vector<16xi1>
      %le3A_664 = arith.constant 14 : i32
      %le3A_665 = vector.broadcast %le3A_664 : i32 to vector<16xi32>
      %le3A_666 = arith.cmpi sle, %iota3A, %le3A_665 : vector<16xi32>
      %and3A_667 = arith.andi %and3A_663, %le3A_666 : vector<16xi1>
      %max3A_668 = arith.constant 0 : i32
      %max3A_669 = vector.broadcast %max3A_668 : i32 to vector<16xi32>
      %max3A_670 = arith.maxsi %add3A_657, %max3A_669 : vector<16xi32>
      %min3A_671 = arith.constant 255 : i32
      %min3A_672 = vector.broadcast %min3A_671 : i32 to vector<16xi32>
      %min3A_673 = arith.minsi %max3A_670, %min3A_672 : vector<16xi32>
      %convert_element_type3A_674 = arith.sitofp %add3A_657 : vector<16xi32> to vector<16xf32>
      %sub3A_675 = vector.broadcast %squeeze3A_639 : f32 to vector<16xf32>
      %sub3A_676 = arith.subf %convert_element_type3A_674, %sub3A_675 : vector<16xf32>
      %mul3A_677 = arith.mulf %sub3A_676, %sub3A_676 : vector<16xf32>
      %while3A = arith.constant 0 : i32
      %while3A_678 = arith.subi %min3A_653, %max3A_646 : i32
      %while3A_679 = arith.addi %max3A_646, %while3A_678 : i32
      %while3A_680 = arith.constant 1 : i32
      %while3A_681 = arith.divsi %while3A_678, %while3A_680 : i32
      %while3A_682 = arith.muli %while3A_681, %while3A_680 : i32
      %while3A_683 = arith.addi %max3A_646, %while3A_682 : i32
      %while3A_684 = arith.constant 1 : i32
      %while3A_685 = scf.for %while3A_689 = %max3A_646 to %while3A_683 step %while3A_684 iter_args(%while3A_690 = %while3A) -> (i32)  : i32 {
        %mul3A_691 = arith.constant 0 : i32
        %mul3A_692 = vector.broadcast %mul3A_691 : i32 to vector<16xi32>
        %mul3A_693 = arith.muli %iota3A, %mul3A_692 : vector<16xi32>
        %add3A_694 = vector.broadcast %while3A_689 : i32 to vector<16xi32>
        %add3A_695 = arith.addi %mul3A_693, %add3A_694 : vector<16xi32>
        %convert_element_type3A_696 = arith.sitofp %add3A_695 : vector<16xi32> to vector<16xf32>
        %sub3A_697 = vector.broadcast %squeeze3A_643 : f32 to vector<16xf32>
        %sub3A_698 = arith.subf %convert_element_type3A_696, %sub3A_697 : vector<16xf32>
        %mul3A_699 = arith.mulf %sub3A_698, %sub3A_698 : vector<16xf32>
        %add3A_700 = arith.addf %mul3A_677, %mul3A_699 : vector<16xf32>
        %neg3A = arith.constant 0.000000e+00 : f32
        %neg3A_701 = vector.broadcast %neg3A : f32 to vector<16xf32>
        %neg3A_702 = arith.subf %neg3A_701, %add3A_700 : vector<16xf32>
        %div3A_703 = arith.constant 8.000000e+00 : f32
        %div3A_704 = vector.broadcast %div3A_703 : f32 to vector<16xf32>
        %div3A_705 = arith.divf %neg3A_702, %div3A_704 : vector<16xf32>
        %exp3A = math.exp %div3A_705 : vector<16xf32>
        %mul3A_706 = arith.constant 0 : i32
        %mul3A_707 = vector.broadcast %mul3A_706 : i32 to vector<16xi32>
        %mul3A_708 = arith.muli %iota3A, %mul3A_707 : vector<16xi32>
        %sub3A_709 = arith.subi %while3A_689, %mul3A_32 : i32
        %add3A_710 = vector.broadcast %sub3A_709 : i32 to vector<16xi32>
        %add3A_711 = arith.addi %mul3A_708, %add3A_710 : vector<16xi32>
        %jit3A_712 = arith.constant 64 : i32
        %broadcast_in_dim3A_713 = vector.broadcast %jit3A_712 : i32 to vector<16xi32>
        %select_n3A_714 = arith.select %and3A_667, %add3A_711, %broadcast_in_dim3A_713 : vector<16xi1>, vector<16xi32>
        %select_n3A_715 = arith.select %and3A_667, %min3A_673, %iota3A : vector<16xi1>, vector<16xi32>
        %gather3A_716 = tpu.vector_load_idx %arg21[%select_n3A_714, %select_n3A_715] : memref<65x256xf32, #tpu.memory_space<vmem>>[vector<16xi32>, vector<16xi32>], vector<16xf32>,
        %max3A_717 = arith.maximumf %gather3A_716, %exp3A : vector<16xf32>
        tpu.vector_store_idx %arg21[%select_n3A_714, %select_n3A_715], %max3A_717 : memref<65x256xf32, #tpu.memory_space<vmem>>[vector<16xi32>, vector<16xi32>], vector<16xf32>,
        %while3A_718 = arith.constant 0 : i32
        scf.yield %while3A_718 : i32
      }
      %while3A_686 = arith.constant 1 : i32
      %while3A_687 = scf.for %while3A_689 = %while3A_683 to %while3A_679 step %while3A_686 iter_args(%while3A_690 = %while3A_685) -> (i32)  : i32 {
        %mul3A_691 = arith.constant 0 : i32
        %mul3A_692 = vector.broadcast %mul3A_691 : i32 to vector<16xi32>
        %mul3A_693 = arith.muli %iota3A, %mul3A_692 : vector<16xi32>
        %add3A_694 = vector.broadcast %while3A_689 : i32 to vector<16xi32>
        %add3A_695 = arith.addi %mul3A_693, %add3A_694 : vector<16xi32>
        %convert_element_type3A_696 = arith.sitofp %add3A_695 : vector<16xi32> to vector<16xf32>
        %sub3A_697 = vector.broadcast %squeeze3A_643 : f32 to vector<16xf32>
        %sub3A_698 = arith.subf %convert_element_type3A_696, %sub3A_697 : vector<16xf32>
        %mul3A_699 = arith.mulf %sub3A_698, %sub3A_698 : vector<16xf32>
        %add3A_700 = arith.addf %mul3A_677, %mul3A_699 : vector<16xf32>
        %neg3A = arith.constant 0.000000e+00 : f32
        %neg3A_701 = vector.broadcast %neg3A : f32 to vector<16xf32>
        %neg3A_702 = arith.subf %neg3A_701, %add3A_700 : vector<16xf32>
        %div3A_703 = arith.constant 8.000000e+00 : f32
        %div3A_704 = vector.broadcast %div3A_703 : f32 to vector<16xf32>
        %div3A_705 = arith.divf %neg3A_702, %div3A_704 : vector<16xf32>
        %exp3A = math.exp %div3A_705 : vector<16xf32>
        %mul3A_706 = arith.constant 0 : i32
        %mul3A_707 = vector.broadcast %mul3A_706 : i32 to vector<16xi32>
        %mul3A_708 = arith.muli %iota3A, %mul3A_707 : vector<16xi32>
        %sub3A_709 = arith.subi %while3A_689, %mul3A_32 : i32
        %add3A_710 = vector.broadcast %sub3A_709 : i32 to vector<16xi32>
        %add3A_711 = arith.addi %mul3A_708, %add3A_710 : vector<16xi32>
        %jit3A_712 = arith.constant 64 : i32
        %broadcast_in_dim3A_713 = vector.broadcast %jit3A_712 : i32 to vector<16xi32>
        %select_n3A_714 = arith.select %and3A_667, %add3A_711, %broadcast_in_dim3A_713 : vector<16xi1>, vector<16xi32>
        %select_n3A_715 = arith.select %and3A_667, %min3A_673, %iota3A : vector<16xi1>, vector<16xi32>
        %gather3A_716 = tpu.vector_load_idx %arg21[%select_n3A_714, %select_n3A_715] : memref<65x256xf32, #tpu.memory_space<vmem>>[vector<16xi32>, vector<16xi32>], vector<16xf32>,
        %max3A_717 = arith.maximumf %gather3A_716, %exp3A : vector<16xf32>
        tpu.vector_store_idx %arg21[%select_n3A_714, %select_n3A_715], %max3A_717 : memref<65x256xf32, #tpu.memory_space<vmem>>[vector<16xi32>, vector<16xi32>], vector<16xf32>,
        %while3A_718 = arith.constant 0 : i32
        scf.yield %while3A_718 : i32
      }
      %scan3A_688 = arith.constant 0 : i32
      scf.yield %scan3A_688 : i32
    }
    %scan3A_301 = arith.constant 64 : i32
    %mul3A_302 = arith.constant 4 : i32
    %mul3A_303 = arith.muli %select_n3A, %mul3A_302 : i32
    %add3A_304 = arith.addi %mul3A_303, %select_n3A_30 : i32
    %mul3A_305 = arith.constant 64 : i32
    %mul3A_306 = arith.muli %add3A_304, %mul3A_305 : i32
    "tpu.region"() ({
      %run_scoped3A = tpu.sem_alloc : memref<!tpu.dma_semaphore, #tpu.memory_space<semaphore_mem>>
      %dma_start3A_628 = arith.constant 0 : i32
      %dma_start3A_629 = arith.constant 0 : i32
      %dma_start3A_630 = tpu.memref_slice %arg21[%dma_start3A_628, %dma_start3A_629] : memref<65x256xf32, #tpu.memory_space<vmem>> -> memref<64x256xf32, #tpu.memory_space<vmem>>
      %dma_start3A_631 = arith.constant 0 : i32
      %dma_start3A_632 = tpu.memref_slice %arg6[%mul3A_306, %dma_start3A_631] : memref<2048x256xf32, #tpu.memory_space<hbm>> -> memref<64x256xf32, #tpu.memory_space<hbm>>
      %dma_start3A_633 = arith.constant 0 : i32
      %dma_start3A_634 = tpu.memref_slice %arg6[%mul3A_306, %dma_start3A_633] : memref<2048x256xf32, #tpu.memory_space<hbm>> -> memref<64x256xf32, #tpu.memory_space<hbm>>
      %dma_start3A_635 = arith.constant 0 : i32
      %dma_start3A_636 = arith.constant 0 : i32
      %dma_start3A_637 = tpu.memref_slice %arg21[%dma_start3A_635, %dma_start3A_636] : memref<65x256xf32, #tpu.memory_space<vmem>> -> memref<64x256xf32, #tpu.memory_space<vmem>>
      tpu.enqueue_dma source(%dma_start3A_637 : memref<64x256xf32, #tpu.memory_space<vmem>>) target(%dma_start3A_634 : memref<64x256xf32, #tpu.memory_space<hbm>>) target_semaphore(%run_scoped3A : memref<!tpu.dma_semaphore, #tpu.memory_space<semaphore_mem>>)
      %dma_wait3A_638 = arith.constant 0 : i32
      %dma_wait3A_639 = arith.constant 0 : i32
      %dma_wait3A_640 = tpu.memref_slice %arg21[%dma_wait3A_638, %dma_wait3A_639] : memref<65x256xf32, #tpu.memory_space<vmem>> -> memref<64x256xf32, #tpu.memory_space<vmem>>
      %dma_wait3A_641 = arith.constant 0 : i32
      %dma_wait3A_642 = tpu.memref_slice %arg6[%mul3A_306, %dma_wait3A_641] : memref<2048x256xf32, #tpu.memory_space<hbm>> -> memref<64x256xf32, #tpu.memory_space<hbm>>
      %dma_wait3A_643 = arith.constant 0 : i32
      %dma_wait3A_644 = tpu.memref_slice %arg6[%mul3A_306, %dma_wait3A_643] : memref<2048x256xf32, #tpu.memory_space<hbm>> -> memref<64x256xf32, #tpu.memory_space<hbm>>
      %dma_wait3A_645 = arith.constant 0 : i32
      %dma_wait3A_646 = arith.constant 0 : i32
      %dma_wait3A_647 = tpu.memref_slice %arg21[%dma_wait3A_645, %dma_wait3A_646] : memref<65x256xf32, #tpu.memory_space<vmem>> -> memref<64x256xf32, #tpu.memory_space<vmem>>
      tpu.wait_dma2 semaphore(%run_scoped3A : memref<!tpu.dma_semaphore, #tpu.memory_space<semaphore_mem>>) src(%dma_wait3A_647 : memref<64x256xf32, #tpu.memory_space<vmem>>) dst(%dma_wait3A_644 : memref<64x256xf32, #tpu.memory_space<hbm>>)
      tpu.yield
    }) : () -> ()
    %get3A = arith.constant 0 : index
    %get3A_307 = tpu.vector_load %arg15[%get3A] {strides = array<i32>} : memref<80xi32, #tpu.memory_space<vmem>>, vector<16xi32>,
    %get3A_308 = arith.constant 16 : index
    %get3A_309 = tpu.vector_load %arg15[%get3A_308] {strides = array<i32>} : memref<80xi32, #tpu.memory_space<vmem>>, vector<16xi32>,
    %get3A_310 = arith.constant 32 : index
    %get3A_311 = tpu.vector_load %arg15[%get3A_310] {strides = array<i32>} : memref<80xi32, #tpu.memory_space<vmem>>, vector<16xi32>,
    %get3A_312 = arith.constant 48 : index
    %get3A_313 = tpu.vector_load %arg15[%get3A_312] {strides = array<i32>} : memref<80xi32, #tpu.memory_space<vmem>>, vector<16xi32>,
    %add3A_314 = arith.constant 0 : i32
    %add3A_315 = vector.broadcast %add3A_314 : i32 to vector<16xi32>
    %add3A_316 = arith.addi %iota3A, %add3A_315 : vector<16xi32>
    %add3A_317 = arith.constant 16 : i32
    %add3A_318 = vector.broadcast %add3A_317 : i32 to vector<16xi32>
    %add3A_319 = arith.addi %iota3A, %add3A_318 : vector<16xi32>
    %add3A_320 = arith.constant 32 : i32
    %add3A_321 = vector.broadcast %add3A_320 : i32 to vector<16xi32>
    %add3A_322 = arith.addi %iota3A, %add3A_321 : vector<16xi32>
    %add3A_323 = arith.constant 48 : i32
    %add3A_324 = vector.broadcast %add3A_323 : i32 to vector<16xi32>
    %add3A_325 = arith.addi %iota3A, %add3A_324 : vector<16xi32>
    %broadcast_in_dim3A_326 = arith.constant 0 : i32
    %broadcast_in_dim3A_327 = vector.broadcast %broadcast_in_dim3A_326 : i32 to vector<16xi32>
    %scan3A_328 = arith.constant 0 : i32
    %scan3A_329 = arith.constant 64 : i32
    %scan3A_330 = arith.addi %scan3A_328, %scan3A_329 : i32
    %scan3A_331 = arith.constant 1 : i32
    %scan3A_332:4 = scf.for %scan3A_628 = %scan3A_328 to %scan3A_330 step %scan3A_331 iter_args(%scan3A_629 = %broadcast_in_dim3A_327, %scan3A_630 = %broadcast_in_dim3A_327, %scan3A_631 = %broadcast_in_dim3A_327, %scan3A_632 = %broadcast_in_dim3A_327) -> (vector<16xi32>, vector<16xi32>, vector<16xi32>, vector<16xi32>)  : i32 {
      %get3A_633 = arith.index_cast %scan3A_628 : i32 to index
      %get3A_634 = tpu.vector_load %arg15[%get3A_633] {strides = array<i32>} : memref<80xi32, #tpu.memory_space<vmem>>, vector<16xi32>,
      %slice3A = vector.extract_strided_slice %get3A_634 {offsets = [0], sizes = [1], strides = [1]} : vector<16xi32> to vector<1xi32>
      %squeeze3A = vector.extract %slice3A[0] : i32 from vector<1xi32>
      %eq3A_635 = vector.broadcast %squeeze3A : i32 to vector<16xi32>
      %eq3A_636 = arith.cmpi eq, %get3A_307, %eq3A_635 : vector<16xi32>
      %gt3A = vector.broadcast %scan3A_628 : i32 to vector<16xi32>
      %gt3A_637 = arith.cmpi sgt, %add3A_316, %gt3A : vector<16xi32>
      %and3A_638 = arith.andi %eq3A_636, %gt3A_637 : vector<16xi1>
      %convert_element_type3A_639 = arith.extui %and3A_638 : vector<16xi1> to vector<16xi32>
      %or3A = arith.ori %scan3A_629, %convert_element_type3A_639 : vector<16xi32>
      %eq3A_640 = vector.broadcast %squeeze3A : i32 to vector<16xi32>
      %eq3A_641 = arith.cmpi eq, %get3A_309, %eq3A_640 : vector<16xi32>
      %gt3A_642 = vector.broadcast %scan3A_628 : i32 to vector<16xi32>
      %gt3A_643 = arith.cmpi sgt, %add3A_319, %gt3A_642 : vector<16xi32>
      %and3A_644 = arith.andi %eq3A_641, %gt3A_643 : vector<16xi1>
      %convert_element_type3A_645 = arith.extui %and3A_644 : vector<16xi1> to vector<16xi32>
      %or3A_646 = arith.ori %scan3A_630, %convert_element_type3A_645 : vector<16xi32>
      %eq3A_647 = vector.broadcast %squeeze3A : i32 to vector<16xi32>
      %eq3A_648 = arith.cmpi eq, %get3A_311, %eq3A_647 : vector<16xi32>
      %gt3A_649 = vector.broadcast %scan3A_628 : i32 to vector<16xi32>
      %gt3A_650 = arith.cmpi sgt, %add3A_322, %gt3A_649 : vector<16xi32>
      %and3A_651 = arith.andi %eq3A_648, %gt3A_650 : vector<16xi1>
      %convert_element_type3A_652 = arith.extui %and3A_651 : vector<16xi1> to vector<16xi32>
      %or3A_653 = arith.ori %scan3A_631, %convert_element_type3A_652 : vector<16xi32>
      %eq3A_654 = vector.broadcast %squeeze3A : i32 to vector<16xi32>
      %eq3A_655 = arith.cmpi eq, %get3A_313, %eq3A_654 : vector<16xi32>
      %gt3A_656 = vector.broadcast %scan3A_628 : i32 to vector<16xi32>
      %gt3A_657 = arith.cmpi sgt, %add3A_325, %gt3A_656 : vector<16xi32>
      %and3A_658 = arith.andi %eq3A_655, %gt3A_657 : vector<16xi1>
      %convert_element_type3A_659 = arith.extui %and3A_658 : vector<16xi1> to vector<16xi32>
      %or3A_660 = arith.ori %scan3A_632, %convert_element_type3A_659 : vector<16xi32>
      scf.yield %or3A, %or3A_646, %or3A_653, %or3A_660 : vector<16xi32>, vector<16xi32>, vector<16xi32>, vector<16xi32>
    }
    %scan3A_333 = arith.constant 64 : i32
    %dma_start3A = arith.constant 0 : i32
    %dma_start3A_334 = arith.constant 0 : i32
    %dma_start3A_335 = arith.constant 0 : i32
    %dma_start3A_336 = tpu.memref_slice %arg4[%select_n3A, %dma_start3A, %dma_start3A_334, %dma_start3A_335] : memref<8x2x256x256xf32, #tpu.memory_space<hbm>> -> memref<1x1x256x256xf32, #tpu.memory_space<hbm>>
    %dma_start3A_337 = tpu.memref_squeeze %dma_start3A_336 : memref<1x1x256x256xf32, #tpu.memory_space<hbm>> -> memref<256x256xf32, #tpu.memory_space<hbm>>
    %dma_start3A_338 = arith.constant 0 : i32
    %dma_start3A_339 = arith.constant 0 : i32
    %dma_start3A_340 = tpu.memref_slice %dma_start3A_337[%dma_start3A_338, %dma_start3A_339] : memref<256x256xf32, #tpu.memory_space<hbm>> -> memref<256x256xf32, #tpu.memory_space<hbm>>
    tpu.enqueue_indirect_dma source(%dma_start3A_340 : memref<256x256xf32, #tpu.memory_space<hbm>>) target(%arg18 : memref<64x256xf32, #tpu.memory_space<vmem>>) offsets(%arg16 : memref<64xi32, #tpu.memory_space<vmem>>) semaphore(%arg23 : memref<!tpu.dma_semaphore, #tpu.memory_space<semaphore_mem>>)
    %dma_wait3A = arith.constant 0 : i32
    %dma_wait3A_341 = arith.constant 0 : i32
    %dma_wait3A_342 = arith.constant 0 : i32
    %dma_wait3A_343 = tpu.memref_slice %arg4[%select_n3A, %dma_wait3A, %dma_wait3A_341, %dma_wait3A_342] : memref<8x2x256x256xf32, #tpu.memory_space<hbm>> -> memref<1x1x256x256xf32, #tpu.memory_space<hbm>>
    %dma_wait3A_344 = tpu.memref_squeeze %dma_wait3A_343 : memref<1x1x256x256xf32, #tpu.memory_space<hbm>> -> memref<256x256xf32, #tpu.memory_space<hbm>>
    %dma_wait3A_345 = arith.constant 0 : i32
    %dma_wait3A_346 = arith.constant 0 : i32
    %dma_wait3A_347 = tpu.memref_slice %dma_wait3A_344[%dma_wait3A_345, %dma_wait3A_346] : memref<256x256xf32, #tpu.memory_space<hbm>> -> memref<256x256xf32, #tpu.memory_space<hbm>>
    tpu.wait_indirect_dma semaphore(%arg23 : memref<!tpu.dma_semaphore, #tpu.memory_space<semaphore_mem>>) src(%dma_wait3A_347 : memref<256x256xf32, #tpu.memory_space<hbm>>) dst(%arg18 : memref<64x256xf32, #tpu.memory_space<vmem>>)
    %dma_start3A_348 = arith.constant 1 : i32
    %dma_start3A_349 = arith.constant 0 : i32
    %dma_start3A_350 = arith.constant 0 : i32
    %dma_start3A_351 = tpu.memref_slice %arg4[%select_n3A, %dma_start3A_348, %dma_start3A_349, %dma_start3A_350] : memref<8x2x256x256xf32, #tpu.memory_space<hbm>> -> memref<1x1x256x256xf32, #tpu.memory_space<hbm>>
    %dma_start3A_352 = tpu.memref_squeeze %dma_start3A_351 : memref<1x1x256x256xf32, #tpu.memory_space<hbm>> -> memref<256x256xf32, #tpu.memory_space<hbm>>
    %dma_start3A_353 = arith.constant 0 : i32
    %dma_start3A_354 = arith.constant 0 : i32
    %dma_start3A_355 = tpu.memref_slice %dma_start3A_352[%dma_start3A_353, %dma_start3A_354] : memref<256x256xf32, #tpu.memory_space<hbm>> -> memref<256x256xf32, #tpu.memory_space<hbm>>
    tpu.enqueue_indirect_dma source(%dma_start3A_355 : memref<256x256xf32, #tpu.memory_space<hbm>>) target(%arg19 : memref<64x256xf32, #tpu.memory_space<vmem>>) offsets(%arg16 : memref<64xi32, #tpu.memory_space<vmem>>) semaphore(%arg23 : memref<!tpu.dma_semaphore, #tpu.memory_space<semaphore_mem>>)
    %dma_wait3A_356 = arith.constant 1 : i32
    %dma_wait3A_357 = arith.constant 0 : i32
    %dma_wait3A_358 = arith.constant 0 : i32
    %dma_wait3A_359 = tpu.memref_slice %arg4[%select_n3A, %dma_wait3A_356, %dma_wait3A_357, %dma_wait3A_358] : memref<8x2x256x256xf32, #tpu.memory_space<hbm>> -> memref<1x1x256x256xf32, #tpu.memory_space<hbm>>
    %dma_wait3A_360 = tpu.memref_squeeze %dma_wait3A_359 : memref<1x1x256x256xf32, #tpu.memory_space<hbm>> -> memref<256x256xf32, #tpu.memory_space<hbm>>
    %dma_wait3A_361 = arith.constant 0 : i32
    %dma_wait3A_362 = arith.constant 0 : i32
    %dma_wait3A_363 = tpu.memref_slice %dma_wait3A_360[%dma_wait3A_361, %dma_wait3A_362] : memref<256x256xf32, #tpu.memory_space<hbm>> -> memref<256x256xf32, #tpu.memory_space<hbm>>
    tpu.wait_indirect_dma semaphore(%arg23 : memref<!tpu.dma_semaphore, #tpu.memory_space<semaphore_mem>>) src(%dma_wait3A_363 : memref<256x256xf32, #tpu.memory_space<hbm>>) dst(%arg19 : memref<64x256xf32, #tpu.memory_space<vmem>>)
    %dma_start3A_364 = arith.constant 0 : i32
    %dma_start3A_365 = arith.constant 0 : i32
    %dma_start3A_366 = tpu.memref_slice %arg5[%select_n3A, %dma_start3A_364, %dma_start3A_365] : memref<8x256x256xf32, #tpu.memory_space<hbm>> -> memref<1x256x256xf32, #tpu.memory_space<hbm>>
    %dma_start3A_367 = tpu.memref_squeeze %dma_start3A_366 : memref<1x256x256xf32, #tpu.memory_space<hbm>> -> memref<256x256xf32, #tpu.memory_space<hbm>>
    %dma_start3A_368 = arith.constant 0 : i32
    %dma_start3A_369 = arith.constant 0 : i32
    %dma_start3A_370 = tpu.memref_slice %dma_start3A_367[%dma_start3A_368, %dma_start3A_369] : memref<256x256xf32, #tpu.memory_space<hbm>> -> memref<256x256xf32, #tpu.memory_space<hbm>>
    tpu.enqueue_indirect_dma source(%dma_start3A_370 : memref<256x256xf32, #tpu.memory_space<hbm>>) target(%arg20 : memref<64x256xf32, #tpu.memory_space<vmem>>) offsets(%arg16 : memref<64xi32, #tpu.memory_space<vmem>>) semaphore(%arg23 : memref<!tpu.dma_semaphore, #tpu.memory_space<semaphore_mem>>)
    %dma_wait3A_371 = arith.constant 0 : i32
    %dma_wait3A_372 = arith.constant 0 : i32
    %dma_wait3A_373 = tpu.memref_slice %arg5[%select_n3A, %dma_wait3A_371, %dma_wait3A_372] : memref<8x256x256xf32, #tpu.memory_space<hbm>> -> memref<1x256x256xf32, #tpu.memory_space<hbm>>
    %dma_wait3A_374 = tpu.memref_squeeze %dma_wait3A_373 : memref<1x256x256xf32, #tpu.memory_space<hbm>> -> memref<256x256xf32, #tpu.memory_space<hbm>>
    %dma_wait3A_375 = arith.constant 0 : i32
    %dma_wait3A_376 = arith.constant 0 : i32
    %dma_wait3A_377 = tpu.memref_slice %dma_wait3A_374[%dma_wait3A_375, %dma_wait3A_376] : memref<256x256xf32, #tpu.memory_space<hbm>> -> memref<256x256xf32, #tpu.memory_space<hbm>>
    tpu.wait_indirect_dma semaphore(%arg23 : memref<!tpu.dma_semaphore, #tpu.memory_space<semaphore_mem>>) src(%dma_wait3A_377 : memref<256x256xf32, #tpu.memory_space<hbm>>) dst(%arg20 : memref<64x256xf32, #tpu.memory_space<vmem>>)
    %broadcast_in_dim3A_378 = arith.constant 0.000000e+00 : f32
    %broadcast_in_dim3A_379 = vector.broadcast %broadcast_in_dim3A_378 : f32 to vector<16xf32>
    %broadcast_in_dim3A_380 = arith.constant 0.000000e+00 : f32
    %broadcast_in_dim3A_381 = vector.broadcast %broadcast_in_dim3A_380 : f32 to vector<16xf32>
    %broadcast_in_dim3A_382 = arith.constant 0.000000e+00 : f32
    %broadcast_in_dim3A_383 = vector.broadcast %broadcast_in_dim3A_382 : f32 to vector<16xf32>
    %get3A_384 = arith.constant 0 : index
    %get3A_385 = tpu.vector_load %arg12[%get3A_384] {strides = array<i32>} : memref<80xi32, #tpu.memory_space<vmem>>, vector<16xi32>,
    %eq3A_386 = arith.constant 0 : i32
    %eq3A_387 = vector.broadcast %eq3A_386 : i32 to vector<16xi32>
    %eq3A_388 = arith.cmpi eq, %scan3A_332#0, %eq3A_387 : vector<16xi32>
    %ge3A = vector.broadcast %mul3A_32 : i32 to vector<16xi32>
    %ge3A_389 = arith.cmpi sge, %get3A_385, %ge3A : vector<16xi32>
    %and3A_390 = arith.andi %eq3A_388, %ge3A_389 : vector<16xi1>
    %add3A_391 = arith.constant 64 : i32
    %add3A_392 = arith.addi %mul3A_32, %add3A_391 : i32
    %lt3A_393 = vector.broadcast %add3A_392 : i32 to vector<16xi32>
    %lt3A_394 = arith.cmpi slt, %get3A_385, %lt3A_393 : vector<16xi32>
    %and3A_395 = arith.andi %and3A_390, %lt3A_394 : vector<16xi1>
    %add3A_396 = arith.constant 0 : i32
    %add3A_397 = vector.broadcast %add3A_396 : i32 to vector<16xi32>
    %add3A_398 = arith.addi %iota3A, %add3A_397 : vector<16xi32>
    %and3A_399 = arith.constant 255 : i32
    %and3A_400 = vector.broadcast %and3A_399 : i32 to vector<16xi32>
    %and3A_401 = arith.andi %get3A_307, %and3A_400 : vector<16xi32>
    %gather3A_402 = tpu.vector_load_idx %arg18[%add3A_398, %and3A_401] : memref<64x256xf32, #tpu.memory_space<vmem>>[vector<16xi32>, vector<16xi32>], vector<16xf32>,
    %gather3A_403 = tpu.vector_load_idx %arg19[%add3A_398, %and3A_401] : memref<64x256xf32, #tpu.memory_space<vmem>>[vector<16xi32>, vector<16xi32>], vector<16xf32>,
    %gather3A_404 = tpu.vector_load_idx %arg20[%add3A_398, %and3A_401] : memref<64x256xf32, #tpu.memory_space<vmem>>[vector<16xi32>, vector<16xi32>], vector<16xf32>,
    %get3A_405 = arith.constant 0 : index
    %get3A_406 = tpu.vector_load %arg13[%get3A_405] {strides = array<i32>} : memref<64xf32, #tpu.memory_space<vmem>>, vector<16xf32>,
    %sub3A_407 = arith.subf %gather3A_402, %get3A_406 : vector<16xf32>
    %abs3A = math.absf %sub3A_407 : vector<16xf32>
    %get3A_408 = arith.constant 0 : index
    %get3A_409 = tpu.vector_load %arg14[%get3A_408] {strides = array<i32>} : memref<64xf32, #tpu.memory_space<vmem>>, vector<16xf32>,
    %sub3A_410 = arith.subf %gather3A_403, %get3A_409 : vector<16xf32>
    %abs3A_411 = math.absf %sub3A_410 : vector<16xf32>
    %add3A_412 = arith.addf %abs3A, %abs3A_411 : vector<16xf32>
    %jit3A_413 = arith.constant 0.000000e+00 : f32
    %broadcast_in_dim3A_414 = vector.broadcast %jit3A_413 : f32 to vector<16xf32>
    %select_n3A_415 = arith.select %and3A_395, %add3A_412, %broadcast_in_dim3A_414 : vector<16xi1>, vector<16xf32>
    %add3A_416 = arith.addf %broadcast_in_dim3A_379, %select_n3A_415 : vector<16xf32>
    %get3A_417 = arith.constant 0 : index
    %get3A_418 = tpu.vector_load %arg17[%get3A_417] {strides = array<i32>} : memref<128xf32, #tpu.memory_space<vmem>>, vector<16xf32>,
    %sub3A_419 = arith.subf %gather3A_404, %get3A_418 : vector<16xf32>
    %abs3A_420 = math.absf %sub3A_419 : vector<16xf32>
    %jit3A_421 = arith.constant 0.000000e+00 : f32
    %broadcast_in_dim3A_422 = vector.broadcast %jit3A_421 : f32 to vector<16xf32>
    %select_n3A_423 = arith.select %and3A_395, %abs3A_420, %broadcast_in_dim3A_422 : vector<16xi1>, vector<16xf32>
    %add3A_424 = arith.addf %broadcast_in_dim3A_381, %select_n3A_423 : vector<16xf32>
    %jit3A_425 = arith.constant 1.000000e+00 : f32
    %jit3A_426 = arith.constant 0.000000e+00 : f32
    %broadcast_in_dim3A_427 = vector.broadcast %jit3A_425 : f32 to vector<16xf32>
    %broadcast_in_dim3A_428 = vector.broadcast %jit3A_426 : f32 to vector<16xf32>
    %select_n3A_429 = arith.select %and3A_395, %broadcast_in_dim3A_427, %broadcast_in_dim3A_428 : vector<16xi1>, vector<16xf32>
    %add3A_430 = arith.addf %broadcast_in_dim3A_383, %select_n3A_429 : vector<16xf32>
    %get3A_431 = arith.constant 16 : index
    %get3A_432 = tpu.vector_load %arg12[%get3A_431] {strides = array<i32>} : memref<80xi32, #tpu.memory_space<vmem>>, vector<16xi32>,
    %eq3A_433 = arith.constant 0 : i32
    %eq3A_434 = vector.broadcast %eq3A_433 : i32 to vector<16xi32>
    %eq3A_435 = arith.cmpi eq, %scan3A_332#1, %eq3A_434 : vector<16xi32>
    %ge3A_436 = vector.broadcast %mul3A_32 : i32 to vector<16xi32>
    %ge3A_437 = arith.cmpi sge, %get3A_432, %ge3A_436 : vector<16xi32>
    %and3A_438 = arith.andi %eq3A_435, %ge3A_437 : vector<16xi1>
    %add3A_439 = arith.constant 64 : i32
    %add3A_440 = arith.addi %mul3A_32, %add3A_439 : i32
    %lt3A_441 = vector.broadcast %add3A_440 : i32 to vector<16xi32>
    %lt3A_442 = arith.cmpi slt, %get3A_432, %lt3A_441 : vector<16xi32>
    %and3A_443 = arith.andi %and3A_438, %lt3A_442 : vector<16xi1>
    %add3A_444 = arith.constant 16 : i32
    %add3A_445 = vector.broadcast %add3A_444 : i32 to vector<16xi32>
    %add3A_446 = arith.addi %iota3A, %add3A_445 : vector<16xi32>
    %and3A_447 = arith.constant 255 : i32
    %and3A_448 = vector.broadcast %and3A_447 : i32 to vector<16xi32>
    %and3A_449 = arith.andi %get3A_309, %and3A_448 : vector<16xi32>
    %gather3A_450 = tpu.vector_load_idx %arg18[%add3A_446, %and3A_449] : memref<64x256xf32, #tpu.memory_space<vmem>>[vector<16xi32>, vector<16xi32>], vector<16xf32>,
    %gather3A_451 = tpu.vector_load_idx %arg19[%add3A_446, %and3A_449] : memref<64x256xf32, #tpu.memory_space<vmem>>[vector<16xi32>, vector<16xi32>], vector<16xf32>,
    %gather3A_452 = tpu.vector_load_idx %arg20[%add3A_446, %and3A_449] : memref<64x256xf32, #tpu.memory_space<vmem>>[vector<16xi32>, vector<16xi32>], vector<16xf32>,
    %get3A_453 = arith.constant 16 : index
    %get3A_454 = tpu.vector_load %arg13[%get3A_453] {strides = array<i32>} : memref<64xf32, #tpu.memory_space<vmem>>, vector<16xf32>,
    %sub3A_455 = arith.subf %gather3A_450, %get3A_454 : vector<16xf32>
    %abs3A_456 = math.absf %sub3A_455 : vector<16xf32>
    %get3A_457 = arith.constant 16 : index
    %get3A_458 = tpu.vector_load %arg14[%get3A_457] {strides = array<i32>} : memref<64xf32, #tpu.memory_space<vmem>>, vector<16xf32>,
    %sub3A_459 = arith.subf %gather3A_451, %get3A_458 : vector<16xf32>
    %abs3A_460 = math.absf %sub3A_459 : vector<16xf32>
    %add3A_461 = arith.addf %abs3A_456, %abs3A_460 : vector<16xf32>
    %jit3A_462 = arith.constant 0.000000e+00 : f32
    %broadcast_in_dim3A_463 = vector.broadcast %jit3A_462 : f32 to vector<16xf32>
    %select_n3A_464 = arith.select %and3A_443, %add3A_461, %broadcast_in_dim3A_463 : vector<16xi1>, vector<16xf32>
    %add3A_465 = arith.addf %add3A_416, %select_n3A_464 : vector<16xf32>
    %get3A_466 = arith.constant 16 : index
    %get3A_467 = tpu.vector_load %arg17[%get3A_466] {strides = array<i32>} : memref<128xf32, #tpu.memory_space<vmem>>, vector<16xf32>,
    %sub3A_468 = arith.subf %gather3A_452, %get3A_467 : vector<16xf32>
    %abs3A_469 = math.absf %sub3A_468 : vector<16xf32>
    %jit3A_470 = arith.constant 0.000000e+00 : f32
    %broadcast_in_dim3A_471 = vector.broadcast %jit3A_470 : f32 to vector<16xf32>
    %select_n3A_472 = arith.select %and3A_443, %abs3A_469, %broadcast_in_dim3A_471 : vector<16xi1>, vector<16xf32>
    %add3A_473 = arith.addf %add3A_424, %select_n3A_472 : vector<16xf32>
    %jit3A_474 = arith.constant 1.000000e+00 : f32
    %jit3A_475 = arith.constant 0.000000e+00 : f32
    %broadcast_in_dim3A_476 = vector.broadcast %jit3A_474 : f32 to vector<16xf32>
    %broadcast_in_dim3A_477 = vector.broadcast %jit3A_475 : f32 to vector<16xf32>
    %select_n3A_478 = arith.select %and3A_443, %broadcast_in_dim3A_476, %broadcast_in_dim3A_477 : vector<16xi1>, vector<16xf32>
    %add3A_479 = arith.addf %add3A_430, %select_n3A_478 : vector<16xf32>
    %get3A_480 = arith.constant 32 : index
    %get3A_481 = tpu.vector_load %arg12[%get3A_480] {strides = array<i32>} : memref<80xi32, #tpu.memory_space<vmem>>, vector<16xi32>,
    %eq3A_482 = arith.constant 0 : i32
    %eq3A_483 = vector.broadcast %eq3A_482 : i32 to vector<16xi32>
    %eq3A_484 = arith.cmpi eq, %scan3A_332#2, %eq3A_483 : vector<16xi32>
    %ge3A_485 = vector.broadcast %mul3A_32 : i32 to vector<16xi32>
    %ge3A_486 = arith.cmpi sge, %get3A_481, %ge3A_485 : vector<16xi32>
    %and3A_487 = arith.andi %eq3A_484, %ge3A_486 : vector<16xi1>
    %add3A_488 = arith.constant 64 : i32
    %add3A_489 = arith.addi %mul3A_32, %add3A_488 : i32
    %lt3A_490 = vector.broadcast %add3A_489 : i32 to vector<16xi32>
    %lt3A_491 = arith.cmpi slt, %get3A_481, %lt3A_490 : vector<16xi32>
    %and3A_492 = arith.andi %and3A_487, %lt3A_491 : vector<16xi1>
    %add3A_493 = arith.constant 32 : i32
    %add3A_494 = vector.broadcast %add3A_493 : i32 to vector<16xi32>
    %add3A_495 = arith.addi %iota3A, %add3A_494 : vector<16xi32>
    %and3A_496 = arith.constant 255 : i32
    %and3A_497 = vector.broadcast %and3A_496 : i32 to vector<16xi32>
    %and3A_498 = arith.andi %get3A_311, %and3A_497 : vector<16xi32>
    %gather3A_499 = tpu.vector_load_idx %arg18[%add3A_495, %and3A_498] : memref<64x256xf32, #tpu.memory_space<vmem>>[vector<16xi32>, vector<16xi32>], vector<16xf32>,
    %gather3A_500 = tpu.vector_load_idx %arg19[%add3A_495, %and3A_498] : memref<64x256xf32, #tpu.memory_space<vmem>>[vector<16xi32>, vector<16xi32>], vector<16xf32>,
    %gather3A_501 = tpu.vector_load_idx %arg20[%add3A_495, %and3A_498] : memref<64x256xf32, #tpu.memory_space<vmem>>[vector<16xi32>, vector<16xi32>], vector<16xf32>,
    %get3A_502 = arith.constant 32 : index
    %get3A_503 = tpu.vector_load %arg13[%get3A_502] {strides = array<i32>} : memref<64xf32, #tpu.memory_space<vmem>>, vector<16xf32>,
    %sub3A_504 = arith.subf %gather3A_499, %get3A_503 : vector<16xf32>
    %abs3A_505 = math.absf %sub3A_504 : vector<16xf32>
    %get3A_506 = arith.constant 32 : index
    %get3A_507 = tpu.vector_load %arg14[%get3A_506] {strides = array<i32>} : memref<64xf32, #tpu.memory_space<vmem>>, vector<16xf32>,
    %sub3A_508 = arith.subf %gather3A_500, %get3A_507 : vector<16xf32>
    %abs3A_509 = math.absf %sub3A_508 : vector<16xf32>
    %add3A_510 = arith.addf %abs3A_505, %abs3A_509 : vector<16xf32>
    %jit3A_511 = arith.constant 0.000000e+00 : f32
    %broadcast_in_dim3A_512 = vector.broadcast %jit3A_511 : f32 to vector<16xf32>
    %select_n3A_513 = arith.select %and3A_492, %add3A_510, %broadcast_in_dim3A_512 : vector<16xi1>, vector<16xf32>
    %add3A_514 = arith.addf %add3A_465, %select_n3A_513 : vector<16xf32>
    %get3A_515 = arith.constant 32 : index
    %get3A_516 = tpu.vector_load %arg17[%get3A_515] {strides = array<i32>} : memref<128xf32, #tpu.memory_space<vmem>>, vector<16xf32>,
    %sub3A_517 = arith.subf %gather3A_501, %get3A_516 : vector<16xf32>
    %abs3A_518 = math.absf %sub3A_517 : vector<16xf32>
    %jit3A_519 = arith.constant 0.000000e+00 : f32
    %broadcast_in_dim3A_520 = vector.broadcast %jit3A_519 : f32 to vector<16xf32>
    %select_n3A_521 = arith.select %and3A_492, %abs3A_518, %broadcast_in_dim3A_520 : vector<16xi1>, vector<16xf32>
    %add3A_522 = arith.addf %add3A_473, %select_n3A_521 : vector<16xf32>
    %jit3A_523 = arith.constant 1.000000e+00 : f32
    %jit3A_524 = arith.constant 0.000000e+00 : f32
    %broadcast_in_dim3A_525 = vector.broadcast %jit3A_523 : f32 to vector<16xf32>
    %broadcast_in_dim3A_526 = vector.broadcast %jit3A_524 : f32 to vector<16xf32>
    %select_n3A_527 = arith.select %and3A_492, %broadcast_in_dim3A_525, %broadcast_in_dim3A_526 : vector<16xi1>, vector<16xf32>
    %add3A_528 = arith.addf %add3A_479, %select_n3A_527 : vector<16xf32>
    %get3A_529 = arith.constant 48 : index
    %get3A_530 = tpu.vector_load %arg12[%get3A_529] {strides = array<i32>} : memref<80xi32, #tpu.memory_space<vmem>>, vector<16xi32>,
    %eq3A_531 = arith.constant 0 : i32
    %eq3A_532 = vector.broadcast %eq3A_531 : i32 to vector<16xi32>
    %eq3A_533 = arith.cmpi eq, %scan3A_332#3, %eq3A_532 : vector<16xi32>
    %ge3A_534 = vector.broadcast %mul3A_32 : i32 to vector<16xi32>
    %ge3A_535 = arith.cmpi sge, %get3A_530, %ge3A_534 : vector<16xi32>
    %and3A_536 = arith.andi %eq3A_533, %ge3A_535 : vector<16xi1>
    %add3A_537 = arith.constant 64 : i32
    %add3A_538 = arith.addi %mul3A_32, %add3A_537 : i32
    %lt3A_539 = vector.broadcast %add3A_538 : i32 to vector<16xi32>
    %lt3A_540 = arith.cmpi slt, %get3A_530, %lt3A_539 : vector<16xi32>
    %and3A_541 = arith.andi %and3A_536, %lt3A_540 : vector<16xi1>
    %add3A_542 = arith.constant 48 : i32
    %add3A_543 = vector.broadcast %add3A_542 : i32 to vector<16xi32>
    %add3A_544 = arith.addi %iota3A, %add3A_543 : vector<16xi32>
    %and3A_545 = arith.constant 255 : i32
    %and3A_546 = vector.broadcast %and3A_545 : i32 to vector<16xi32>
    %and3A_547 = arith.andi %get3A_313, %and3A_546 : vector<16xi32>
    %gather3A_548 = tpu.vector_load_idx %arg18[%add3A_544, %and3A_547] : memref<64x256xf32, #tpu.memory_space<vmem>>[vector<16xi32>, vector<16xi32>], vector<16xf32>,
    %gather3A_549 = tpu.vector_load_idx %arg19[%add3A_544, %and3A_547] : memref<64x256xf32, #tpu.memory_space<vmem>>[vector<16xi32>, vector<16xi32>], vector<16xf32>,
    %gather3A_550 = tpu.vector_load_idx %arg20[%add3A_544, %and3A_547] : memref<64x256xf32, #tpu.memory_space<vmem>>[vector<16xi32>, vector<16xi32>], vector<16xf32>,
    %get3A_551 = arith.constant 48 : index
    %get3A_552 = tpu.vector_load %arg13[%get3A_551] {strides = array<i32>} : memref<64xf32, #tpu.memory_space<vmem>>, vector<16xf32>,
    %sub3A_553 = arith.subf %gather3A_548, %get3A_552 : vector<16xf32>
    %abs3A_554 = math.absf %sub3A_553 : vector<16xf32>
    %get3A_555 = arith.constant 48 : index
    %get3A_556 = tpu.vector_load %arg14[%get3A_555] {strides = array<i32>} : memref<64xf32, #tpu.memory_space<vmem>>, vector<16xf32>,
    %sub3A_557 = arith.subf %gather3A_549, %get3A_556 : vector<16xf32>
    %abs3A_558 = math.absf %sub3A_557 : vector<16xf32>
    %add3A_559 = arith.addf %abs3A_554, %abs3A_558 : vector<16xf32>
    %jit3A_560 = arith.constant 0.000000e+00 : f32
    %broadcast_in_dim3A_561 = vector.broadcast %jit3A_560 : f32 to vector<16xf32>
    %select_n3A_562 = arith.select %and3A_541, %add3A_559, %broadcast_in_dim3A_561 : vector<16xi1>, vector<16xf32>
    %add3A_563 = arith.addf %add3A_514, %select_n3A_562 : vector<16xf32>
    %get3A_564 = arith.constant 48 : index
    %get3A_565 = tpu.vector_load %arg17[%get3A_564] {strides = array<i32>} : memref<128xf32, #tpu.memory_space<vmem>>, vector<16xf32>,
    %sub3A_566 = arith.subf %gather3A_550, %get3A_565 : vector<16xf32>
    %abs3A_567 = math.absf %sub3A_566 : vector<16xf32>
    %jit3A_568 = arith.constant 0.000000e+00 : f32
    %broadcast_in_dim3A_569 = vector.broadcast %jit3A_568 : f32 to vector<16xf32>
    %select_n3A_570 = arith.select %and3A_541, %abs3A_567, %broadcast_in_dim3A_569 : vector<16xi1>, vector<16xf32>
    %add3A_571 = arith.addf %add3A_522, %select_n3A_570 : vector<16xf32>
    %jit3A_572 = arith.constant 1.000000e+00 : f32
    %jit3A_573 = arith.constant 0.000000e+00 : f32
    %broadcast_in_dim3A_574 = vector.broadcast %jit3A_572 : f32 to vector<16xf32>
    %broadcast_in_dim3A_575 = vector.broadcast %jit3A_573 : f32 to vector<16xf32>
    %select_n3A_576 = arith.select %and3A_541, %broadcast_in_dim3A_574, %broadcast_in_dim3A_575 : vector<16xi1>, vector<16xf32>
    %add3A_577 = arith.addf %add3A_528, %select_n3A_576 : vector<16xf32>
    %reduce_sum3A = arith.constant true
    %reduce_sum3A_578 = vector.broadcast %reduce_sum3A : i1 to vector<16xi1>
    %reduce_sum3A_579 = tpu.scan <sum>, %add3A_563 masked %reduce_sum3A_578 : vector<16xf32>, vector<16xi1> -> vector<16xf32>
    %reduce_sum3A_580 = vector.extract %reduce_sum3A_579[15] : f32 from vector<16xf32>
    %reduce_sum3A_581 = arith.constant true
    %reduce_sum3A_582 = vector.broadcast %reduce_sum3A_581 : i1 to vector<16xi1>
    %reduce_sum3A_583 = tpu.scan <sum>, %add3A_571 masked %reduce_sum3A_582 : vector<16xf32>, vector<16xi1> -> vector<16xf32>
    %reduce_sum3A_584 = vector.extract %reduce_sum3A_583[15] : f32 from vector<16xf32>
    %reduce_sum3A_585 = arith.constant true
    %reduce_sum3A_586 = vector.broadcast %reduce_sum3A_585 : i1 to vector<16xi1>
    %reduce_sum3A_587 = tpu.scan <sum>, %add3A_577 masked %reduce_sum3A_586 : vector<16xf32>, vector<16xi1> -> vector<16xf32>
    %reduce_sum3A_588 = vector.extract %reduce_sum3A_587[15] : f32 from vector<16xf32>
    %eq3A_589 = arith.constant 0 : i32
    %eq3A_590 = vector.broadcast %eq3A_589 : i32 to vector<16xi32>
    %eq3A_591 = arith.cmpi eq, %iota3A, %eq3A_590 : vector<16xi32>
    %jit3A_592 = arith.constant 0.000000e+00 : f32
    %broadcast_in_dim3A_593 = vector.broadcast %reduce_sum3A_580 : f32 to vector<16xf32>
    %broadcast_in_dim3A_594 = vector.broadcast %jit3A_592 : f32 to vector<16xf32>
    %select_n3A_595 = arith.select %eq3A_591, %broadcast_in_dim3A_593, %broadcast_in_dim3A_594 : vector<16xi1>, vector<16xf32>
    %eq3A_596 = arith.constant 1 : i32
    %eq3A_597 = vector.broadcast %eq3A_596 : i32 to vector<16xi32>
    %eq3A_598 = arith.cmpi eq, %iota3A, %eq3A_597 : vector<16xi32>
    %jit3A_599 = arith.constant 0.000000e+00 : f32
    %broadcast_in_dim3A_600 = vector.broadcast %reduce_sum3A_584 : f32 to vector<16xf32>
    %broadcast_in_dim3A_601 = vector.broadcast %jit3A_599 : f32 to vector<16xf32>
    %select_n3A_602 = arith.select %eq3A_598, %broadcast_in_dim3A_600, %broadcast_in_dim3A_601 : vector<16xi1>, vector<16xf32>
    %add3A_603 = arith.addf %select_n3A_595, %select_n3A_602 : vector<16xf32>
    %eq3A_604 = arith.constant 2 : i32
    %eq3A_605 = vector.broadcast %eq3A_604 : i32 to vector<16xi32>
    %eq3A_606 = arith.cmpi eq, %iota3A, %eq3A_605 : vector<16xi32>
    %jit3A_607 = arith.constant 0.000000e+00 : f32
    %broadcast_in_dim3A_608 = vector.broadcast %reduce_sum3A_588 : f32 to vector<16xf32>
    %broadcast_in_dim3A_609 = vector.broadcast %jit3A_607 : f32 to vector<16xf32>
    %select_n3A_610 = arith.select %eq3A_606, %broadcast_in_dim3A_608, %broadcast_in_dim3A_609 : vector<16xi1>, vector<16xf32>
    %add3A_611 = arith.addf %add3A_603, %select_n3A_610 : vector<16xf32>
    %swap3A_612 = arith.constant 0 : index
    %swap3A_613 = tpu.vector_load %arg22[%swap3A_612] {strides = array<i32>} : memref<128xf32, #tpu.memory_space<vmem>>, vector<16xf32>,
    tpu.vector_store %arg22[%swap3A_612], %add3A_611 {strides = array<i32>} : memref<128xf32, #tpu.memory_space<vmem>>, vector<16xf32>,
    %swap3A_614 = arith.constant 16 : index
    %swap3A_615 = tpu.vector_load %arg22[%swap3A_614] {strides = array<i32>} : memref<128xf32, #tpu.memory_space<vmem>>, vector<16xf32>,
    tpu.vector_store %arg22[%swap3A_614], %broadcast_in_dim3A_288 {strides = array<i32>} : memref<128xf32, #tpu.memory_space<vmem>>, vector<16xf32>,
    %swap3A_616 = arith.constant 32 : index
    %swap3A_617 = tpu.vector_load %arg22[%swap3A_616] {strides = array<i32>} : memref<128xf32, #tpu.memory_space<vmem>>, vector<16xf32>,
    tpu.vector_store %arg22[%swap3A_616], %broadcast_in_dim3A_288 {strides = array<i32>} : memref<128xf32, #tpu.memory_space<vmem>>, vector<16xf32>,
    %swap3A_618 = arith.constant 48 : index
    %swap3A_619 = tpu.vector_load %arg22[%swap3A_618] {strides = array<i32>} : memref<128xf32, #tpu.memory_space<vmem>>, vector<16xf32>,
    tpu.vector_store %arg22[%swap3A_618], %broadcast_in_dim3A_288 {strides = array<i32>} : memref<128xf32, #tpu.memory_space<vmem>>, vector<16xf32>,
    %swap3A_620 = arith.constant 64 : index
    %swap3A_621 = tpu.vector_load %arg22[%swap3A_620] {strides = array<i32>} : memref<128xf32, #tpu.memory_space<vmem>>, vector<16xf32>,
    tpu.vector_store %arg22[%swap3A_620], %broadcast_in_dim3A_288 {strides = array<i32>} : memref<128xf32, #tpu.memory_space<vmem>>, vector<16xf32>,
    %swap3A_622 = arith.constant 80 : index
    %swap3A_623 = tpu.vector_load %arg22[%swap3A_622] {strides = array<i32>} : memref<128xf32, #tpu.memory_space<vmem>>, vector<16xf32>,
    tpu.vector_store %arg22[%swap3A_622], %broadcast_in_dim3A_288 {strides = array<i32>} : memref<128xf32, #tpu.memory_space<vmem>>, vector<16xf32>,
    %swap3A_624 = arith.constant 96 : index
    %swap3A_625 = tpu.vector_load %arg22[%swap3A_624] {strides = array<i32>} : memref<128xf32, #tpu.memory_space<vmem>>, vector<16xf32>,
    tpu.vector_store %arg22[%swap3A_624], %broadcast_in_dim3A_288 {strides = array<i32>} : memref<128xf32, #tpu.memory_space<vmem>>, vector<16xf32>,
    %swap3A_626 = arith.constant 112 : index
    %swap3A_627 = tpu.vector_load %arg22[%swap3A_626] {strides = array<i32>} : memref<128xf32, #tpu.memory_space<vmem>>, vector<16xf32>,
    tpu.vector_store %arg22[%swap3A_626], %broadcast_in_dim3A_288 {strides = array<i32>} : memref<128xf32, #tpu.memory_space<vmem>>, vector<16xf32>,
    "tpu.region"() ({
      %run_scoped3A = tpu.sem_alloc : memref<!tpu.dma_semaphore, #tpu.memory_space<semaphore_mem>>
      %dma_start3A_628 = arith.constant 0 : i32
      %dma_start3A_629 = tpu.memref_slice %arg7[%add3A, %dma_start3A_628] : memref<32x128xf32, #tpu.memory_space<hbm>> -> memref<1x128xf32, #tpu.memory_space<hbm>>
      %dma_start3A_630 = tpu.memref_squeeze %dma_start3A_629 : memref<1x128xf32, #tpu.memory_space<hbm>> -> memref<128xf32, #tpu.memory_space<hbm>>
      %dma_start3A_631 = arith.constant 0 : i32
      %dma_start3A_632 = tpu.memref_slice %arg7[%add3A, %dma_start3A_631] : memref<32x128xf32, #tpu.memory_space<hbm>> -> memref<1x128xf32, #tpu.memory_space<hbm>>
      %dma_start3A_633 = tpu.memref_squeeze %dma_start3A_632 : memref<1x128xf32, #tpu.memory_space<hbm>> -> memref<128xf32, #tpu.memory_space<hbm>>
      tpu.enqueue_dma source(%arg22 : memref<128xf32, #tpu.memory_space<vmem>>) target(%dma_start3A_633 : memref<128xf32, #tpu.memory_space<hbm>>) target_semaphore(%run_scoped3A : memref<!tpu.dma_semaphore, #tpu.memory_space<semaphore_mem>>)
      %dma_wait3A_634 = arith.constant 0 : i32
      %dma_wait3A_635 = tpu.memref_slice %arg7[%add3A, %dma_wait3A_634] : memref<32x128xf32, #tpu.memory_space<hbm>> -> memref<1x128xf32, #tpu.memory_space<hbm>>
      %dma_wait3A_636 = tpu.memref_squeeze %dma_wait3A_635 : memref<1x128xf32, #tpu.memory_space<hbm>> -> memref<128xf32, #tpu.memory_space<hbm>>
      %dma_wait3A_637 = arith.constant 0 : i32
      %dma_wait3A_638 = tpu.memref_slice %arg7[%add3A, %dma_wait3A_637] : memref<32x128xf32, #tpu.memory_space<hbm>> -> memref<1x128xf32, #tpu.memory_space<hbm>>
      %dma_wait3A_639 = tpu.memref_squeeze %dma_wait3A_638 : memref<1x128xf32, #tpu.memory_space<hbm>> -> memref<128xf32, #tpu.memory_space<hbm>>
      tpu.wait_dma2 semaphore(%run_scoped3A : memref<!tpu.dma_semaphore, #tpu.memory_space<semaphore_mem>>) src(%arg22 : memref<128xf32, #tpu.memory_space<vmem>>) dst(%dma_wait3A_639 : memref<128xf32, #tpu.memory_space<hbm>>)
      tpu.yield
    }) : () -> ()
    return
  }
}

module attributes {stable_mosaic.version = 14 : i64} {
  func.func @_tc_focal_body(%arg0: i32, %arg1: memref<32x128xf32, #tpu.memory_space<vmem>>, %arg2: memref<256x256xf32, #tpu.memory_space<vmem>>, %arg3: memref<256x256xf32, #tpu.memory_space<vmem>>, %arg4: memref<1x128xf32, #tpu.memory_space<vmem>>) attributes {dimension_semantics = [#tpu.dimension_semantics<arbitrary>], iteration_bounds = array<i64: 8>, scalar_prefetch = 0 : i64, scratch_operands = 0 : i64, tpu.core_type = #tpu.core_type<tc>, window_params = [{pipeline_mode = #tpu.pipeline_mode<synchronous>, transform_indices = @transform_0, window_bounds = array<i64: 32, 128>}, {transform_indices = @transform_1, window_bounds = array<i64: 256, 256>}, {transform_indices = @transform_2, window_bounds = array<i64: 256, 256>}, {pipeline_mode = #tpu.pipeline_mode<synchronous>, transform_indices = @transform_3, window_bounds = array<i64: 1, 128>}]} {
    %get3A = arith.constant 0 : index
    %get3A_0 = arith.constant 0 : index
    %get3A_1 = vector.load %arg2[%get3A, %get3A_0] : memref<256x256xf32, #tpu.memory_space<vmem>>, vector<256x256xf32>
    %jit3A = arith.constant 9.99999997E-7 : f32
    %jit3A_2 = arith.constant 0.999998986 : f32
    %max3A = vector.broadcast %jit3A : f32 to vector<256x256xf32>
    %max3A_3 = arith.maximumf %max3A, %get3A_1 : vector<256x256xf32>
    %min3A = vector.broadcast %jit3A_2 : f32 to vector<256x256xf32>
    %min3A_4 = arith.minimumf %min3A, %max3A_3 : vector<256x256xf32>
    %get3A_5 = arith.constant 0 : index
    %get3A_6 = arith.constant 0 : index
    %get3A_7 = vector.load %arg3[%get3A_5, %get3A_6] : memref<256x256xf32, #tpu.memory_space<vmem>>, vector<256x256xf32>
    %eq3A = arith.constant 1.000000e+00 : f32
    %eq3A_8 = vector.broadcast %eq3A : f32 to vector<256x256xf32>
    %eq3A_9 = arith.cmpf oeq, %get3A_7, %eq3A_8 : vector<256x256xf32>
    %sub3A = arith.constant 1.000000e+00 : f32
    %sub3A_10 = vector.broadcast %sub3A : f32 to vector<256x256xf32>
    %sub3A_11 = arith.subf %sub3A_10, %min3A_4 : vector<256x256xf32>
    %mul3A = arith.mulf %sub3A_11, %sub3A_11 : vector<256x256xf32>
    %neg3A = arith.constant 0.000000e+00 : f32
    %neg3A_12 = vector.broadcast %neg3A : f32 to vector<256x256xf32>
    %neg3A_13 = arith.subf %neg3A_12, %mul3A : vector<256x256xf32>
    %log3A = math.log %min3A_4 : vector<256x256xf32>
    %mul3A_14 = arith.mulf %neg3A_13, %log3A : vector<256x256xf32>
    %sub3A_15 = arith.constant 1.000000e+00 : f32
    %sub3A_16 = vector.broadcast %sub3A_15 : f32 to vector<256x256xf32>
    %sub3A_17 = arith.subf %sub3A_16, %get3A_7 : vector<256x256xf32>
    %mul3A_18 = arith.mulf %sub3A_17, %sub3A_17 : vector<256x256xf32>
    %mul3A_19 = arith.mulf %mul3A_18, %mul3A_18 : vector<256x256xf32>
    %neg3A_20 = arith.constant 0.000000e+00 : f32
    %neg3A_21 = vector.broadcast %neg3A_20 : f32 to vector<256x256xf32>
    %neg3A_22 = arith.subf %neg3A_21, %mul3A_19 : vector<256x256xf32>
    %mul3A_23 = arith.mulf %min3A_4, %min3A_4 : vector<256x256xf32>
    %mul3A_24 = arith.mulf %neg3A_22, %mul3A_23 : vector<256x256xf32>
    %sub3A_25 = arith.constant 1.000000e+00 : f32
    %sub3A_26 = vector.broadcast %sub3A_25 : f32 to vector<256x256xf32>
    %sub3A_27 = arith.subf %sub3A_26, %min3A_4 : vector<256x256xf32>
    %log3A_28 = math.log %sub3A_27 : vector<256x256xf32>
    %mul3A_29 = arith.mulf %mul3A_24, %log3A_28 : vector<256x256xf32>
    %select_n3A = arith.select %eq3A_9, %mul3A_14, %mul3A_29 : vector<256x256xi1>, vector<256x256xf32>
    %reduce_sum3A = vector.shape_cast %select_n3A : vector<256x256xf32> to vector<1x256x256xf32>
    %reduce_sum3A_30 = arith.constant dense<0.000000e+00> : vector<1xf32>
    %reduce_sum3A_31 = vector.multi_reduction <add>, %reduce_sum3A, %reduce_sum3A_30 [1, 2] : vector<1x256x256xf32> to vector<1xf32>
    %reduce_sum3A_32 = vector.shape_cast %reduce_sum3A_31 : vector<1xf32> to vector<1x1x1xf32>
    %reduce_sum3A_33 = vector.extract %reduce_sum3A_32[0, 0, 0] : f32 from vector<1x1x1xf32>
    %convert_element_type3A = arith.extui %eq3A_9 : vector<256x256xi1> to vector<256x256xi32>
    %convert_element_type3A_34 = arith.sitofp %convert_element_type3A : vector<256x256xi32> to vector<256x256xf32>
    %reduce_sum3A_35 = vector.shape_cast %convert_element_type3A_34 : vector<256x256xf32> to vector<1x256x256xf32>
    %reduce_sum3A_36 = arith.constant dense<0.000000e+00> : vector<1xf32>
    %reduce_sum3A_37 = vector.multi_reduction <add>, %reduce_sum3A_35, %reduce_sum3A_36 [1, 2] : vector<1x256x256xf32> to vector<1xf32>
    %reduce_sum3A_38 = vector.shape_cast %reduce_sum3A_37 : vector<1xf32> to vector<1x1x1xf32>
    %reduce_sum3A_39 = vector.extract %reduce_sum3A_38[0, 0, 0] : f32 from vector<1x1x1xf32>
    %iota3A = tpu.iota {dimensions = array<i32: 1>} : vector<1x128xi32>
    %eq3A_40 = arith.constant 0 : i32
    %eq3A_41 = vector.broadcast %eq3A_40 : i32 to vector<1x128xi32>
    %eq3A_42 = arith.cmpi eq, %iota3A, %eq3A_41 : vector<1x128xi32>
    %jit3A_43 = arith.constant 0.000000e+00 : f32
    %broadcast_in_dim3A = vector.broadcast %reduce_sum3A_33 : f32 to vector<1x128xf32>
    %broadcast_in_dim3A_44 = vector.broadcast %jit3A_43 : f32 to vector<1x128xf32>
    %select_n3A_45 = arith.select %eq3A_42, %broadcast_in_dim3A, %broadcast_in_dim3A_44 : vector<1x128xi1>, vector<1x128xf32>
    %eq3A_46 = arith.constant 1 : i32
    %eq3A_47 = vector.broadcast %eq3A_46 : i32 to vector<1x128xi32>
    %eq3A_48 = arith.cmpi eq, %iota3A, %eq3A_47 : vector<1x128xi32>
    %jit3A_49 = arith.constant 0.000000e+00 : f32
    %broadcast_in_dim3A_50 = vector.broadcast %reduce_sum3A_39 : f32 to vector<1x128xf32>
    %broadcast_in_dim3A_51 = vector.broadcast %jit3A_49 : f32 to vector<1x128xf32>
    %select_n3A_52 = arith.select %eq3A_48, %broadcast_in_dim3A_50, %broadcast_in_dim3A_51 : vector<1x128xi1>, vector<1x128xf32>
    %add3A = arith.addf %select_n3A_45, %select_n3A_52 : vector<1x128xf32>
    %eq3A_53 = arith.constant 0 : i32
    %eq3A_54 = arith.cmpi eq, %arg0, %eq3A_53 : i32
    %convert_element_type3A_55 = arith.extui %eq3A_54 : i1 to i32
    %cond3A = arith.constant 0 : i32
    %cond3A_56 = arith.cmpi ne, %convert_element_type3A_55, %cond3A : i32
    scf.if %cond3A_56 {
      %broadcast_in_dim3A_68 = arith.constant 0.000000e+00 : f32
      %broadcast_in_dim3A_69 = vector.broadcast %broadcast_in_dim3A_68 : f32 to vector<1x128xf32>
      %swap3A_70 = arith.constant 0 : index
      %swap3A_71 = arith.constant 0 : index
      %swap3A_72 = vector.load %arg4[%swap3A_70, %swap3A_71] : memref<1x128xf32, #tpu.memory_space<vmem>>, vector<1x128xf32>
      tpu.vector_store %arg4[%swap3A_70, %swap3A_71], %broadcast_in_dim3A_69 {strides = array<i32>} : memref<1x128xf32, #tpu.memory_space<vmem>>, vector<1x128xf32>,
    } else {
    }
    %get3A_57 = arith.constant 0 : index
    %get3A_58 = arith.constant 0 : index
    %get3A_59 = vector.load %arg4[%get3A_57, %get3A_58] : memref<1x128xf32, #tpu.memory_space<vmem>>, vector<1x128xf32>
    %add3A_60 = arith.addf %get3A_59, %add3A : vector<1x128xf32>
    %swap3A = arith.constant 0 : index
    %swap3A_61 = arith.constant 0 : index
    %swap3A_62 = vector.load %arg4[%swap3A, %swap3A_61] : memref<1x128xf32, #tpu.memory_space<vmem>>, vector<1x128xf32>
    tpu.vector_store %arg4[%swap3A, %swap3A_61], %add3A_60 {strides = array<i32>} : memref<1x128xf32, #tpu.memory_space<vmem>>, vector<1x128xf32>,
    %eq3A_63 = arith.constant 7 : i32
    %eq3A_64 = arith.cmpi eq, %arg0, %eq3A_63 : i32
    %convert_element_type3A_65 = arith.extui %eq3A_64 : i1 to i32
    %cond3A_66 = arith.constant 0 : i32
    %cond3A_67 = arith.cmpi ne, %convert_element_type3A_65, %cond3A_66 : i32
    scf.if %cond3A_67 {
      %get3A_68 = arith.constant 0 : index
      %get3A_69 = arith.constant 0 : index
      %get3A_70 = vector.load %arg4[%get3A_68, %get3A_69] : memref<1x128xf32, #tpu.memory_space<vmem>>, vector<1x128xf32>
      %eq3A_71 = arith.constant 0 : i32
      %eq3A_72 = vector.broadcast %eq3A_71 : i32 to vector<1x128xi32>
      %eq3A_73 = arith.cmpi eq, %iota3A, %eq3A_72 : vector<1x128xi32>
      %jit3A_74 = arith.constant 0.000000e+00 : f32
      %broadcast_in_dim3A_75 = vector.broadcast %jit3A_74 : f32 to vector<1x128xf32>
      %select_n3A_76 = arith.select %eq3A_73, %get3A_70, %broadcast_in_dim3A_75 : vector<1x128xi1>, vector<1x128xf32>
      %reduce_sum3A_77 = vector.shape_cast %select_n3A_76 : vector<1x128xf32> to vector<1x1x128xf32>
      %reduce_sum3A_78 = arith.constant dense<0.000000e+00> : vector<1xf32>
      %reduce_sum3A_79 = vector.multi_reduction <add>, %reduce_sum3A_77, %reduce_sum3A_78 [1, 2] : vector<1x1x128xf32> to vector<1xf32>
      %reduce_sum3A_80 = vector.shape_cast %reduce_sum3A_79 : vector<1xf32> to vector<1x1x1xf32>
      %reduce_sum3A_81 = vector.extract %reduce_sum3A_80[0, 0, 0] : f32 from vector<1x1x1xf32>
      %eq3A_82 = arith.constant 1 : i32
      %eq3A_83 = vector.broadcast %eq3A_82 : i32 to vector<1x128xi32>
      %eq3A_84 = arith.cmpi eq, %iota3A, %eq3A_83 : vector<1x128xi32>
      %jit3A_85 = arith.constant 0.000000e+00 : f32
      %broadcast_in_dim3A_86 = vector.broadcast %jit3A_85 : f32 to vector<1x128xf32>
      %select_n3A_87 = arith.select %eq3A_84, %get3A_70, %broadcast_in_dim3A_86 : vector<1x128xi1>, vector<1x128xf32>
      %reduce_sum3A_88 = vector.shape_cast %select_n3A_87 : vector<1x128xf32> to vector<1x1x128xf32>
      %reduce_sum3A_89 = arith.constant dense<0.000000e+00> : vector<1xf32>
      %reduce_sum3A_90 = vector.multi_reduction <add>, %reduce_sum3A_88, %reduce_sum3A_89 [1, 2] : vector<1x1x128xf32> to vector<1xf32>
      %reduce_sum3A_91 = vector.shape_cast %reduce_sum3A_90 : vector<1xf32> to vector<1x1x1xf32>
      %reduce_sum3A_92 = vector.extract %reduce_sum3A_91[0, 0, 0] : f32 from vector<1x1x1xf32>
      %get3A_93 = arith.constant 0 : index
      %get3A_94 = arith.constant 0 : index
      %get3A_95 = vector.load %arg1[%get3A_93, %get3A_94] : memref<32x128xf32, #tpu.memory_space<vmem>>, vector<32x128xf32>
      %iota3A_96 = tpu.iota {dimensions = array<i32: 1>} : vector<32x128xi32>
      %eq3A_97 = arith.constant 0 : i32
      %eq3A_98 = vector.broadcast %eq3A_97 : i32 to vector<32x128xi32>
      %eq3A_99 = arith.cmpi eq, %iota3A_96, %eq3A_98 : vector<32x128xi32>
      %jit3A_100 = arith.constant 0.000000e+00 : f32
      %broadcast_in_dim3A_101 = vector.broadcast %jit3A_100 : f32 to vector<32x128xf32>
      %select_n3A_102 = arith.select %eq3A_99, %get3A_95, %broadcast_in_dim3A_101 : vector<32x128xi1>, vector<32x128xf32>
      %reduce_sum3A_103 = vector.shape_cast %select_n3A_102 : vector<32x128xf32> to vector<1x32x128xf32>
      %reduce_sum3A_104 = arith.constant dense<0.000000e+00> : vector<1xf32>
      %reduce_sum3A_105 = vector.multi_reduction <add>, %reduce_sum3A_103, %reduce_sum3A_104 [1, 2] : vector<1x32x128xf32> to vector<1xf32>
      %reduce_sum3A_106 = vector.shape_cast %reduce_sum3A_105 : vector<1xf32> to vector<1x1x1xf32>
      %reduce_sum3A_107 = vector.extract %reduce_sum3A_106[0, 0, 0] : f32 from vector<1x1x1xf32>
      %eq3A_108 = arith.constant 1 : i32
      %eq3A_109 = vector.broadcast %eq3A_108 : i32 to vector<32x128xi32>
      %eq3A_110 = arith.cmpi eq, %iota3A_96, %eq3A_109 : vector<32x128xi32>
      %jit3A_111 = arith.constant 0.000000e+00 : f32
      %broadcast_in_dim3A_112 = vector.broadcast %jit3A_111 : f32 to vector<32x128xf32>
      %select_n3A_113 = arith.select %eq3A_110, %get3A_95, %broadcast_in_dim3A_112 : vector<32x128xi1>, vector<32x128xf32>
      %reduce_sum3A_114 = vector.shape_cast %select_n3A_113 : vector<32x128xf32> to vector<1x32x128xf32>
      %reduce_sum3A_115 = arith.constant dense<0.000000e+00> : vector<1xf32>
      %reduce_sum3A_116 = vector.multi_reduction <add>, %reduce_sum3A_114, %reduce_sum3A_115 [1, 2] : vector<1x32x128xf32> to vector<1xf32>
      %reduce_sum3A_117 = vector.shape_cast %reduce_sum3A_116 : vector<1xf32> to vector<1x1x1xf32>
      %reduce_sum3A_118 = vector.extract %reduce_sum3A_117[0, 0, 0] : f32 from vector<1x1x1xf32>
      %eq3A_119 = arith.constant 2 : i32
      %eq3A_120 = vector.broadcast %eq3A_119 : i32 to vector<32x128xi32>
      %eq3A_121 = arith.cmpi eq, %iota3A_96, %eq3A_120 : vector<32x128xi32>
      %jit3A_122 = arith.constant 0.000000e+00 : f32
      %broadcast_in_dim3A_123 = vector.broadcast %jit3A_122 : f32 to vector<32x128xf32>
      %select_n3A_124 = arith.select %eq3A_121, %get3A_95, %broadcast_in_dim3A_123 : vector<32x128xi1>, vector<32x128xf32>
      %reduce_sum3A_125 = vector.shape_cast %select_n3A_124 : vector<32x128xf32> to vector<1x32x128xf32>
      %reduce_sum3A_126 = arith.constant dense<0.000000e+00> : vector<1xf32>
      %reduce_sum3A_127 = vector.multi_reduction <add>, %reduce_sum3A_125, %reduce_sum3A_126 [1, 2] : vector<1x32x128xf32> to vector<1xf32>
      %reduce_sum3A_128 = vector.shape_cast %reduce_sum3A_127 : vector<1xf32> to vector<1x1x1xf32>
      %reduce_sum3A_129 = vector.extract %reduce_sum3A_128[0, 0, 0] : f32 from vector<1x1x1xf32>
      %max3A_130 = arith.constant 1.000000e+00 : f32
      %max3A_131 = arith.maximumf %reduce_sum3A_92, %max3A_130 : f32
      %div3A = arith.divf %reduce_sum3A_81, %max3A_131 : f32
      %max3A_132 = arith.constant 1.000000e+00 : f32
      %max3A_133 = arith.maximumf %reduce_sum3A_129, %max3A_132 : f32
      %mul3A_134 = arith.constant 1.000000e+00 : f32
      %mul3A_135 = arith.mulf %mul3A_134, %div3A : f32
      %div3A_136 = arith.divf %reduce_sum3A_107, %max3A_133 : f32
      %mul3A_137 = arith.constant 1.000000e+00 : f32
      %mul3A_138 = arith.mulf %mul3A_137, %div3A_136 : f32
      %div3A_139 = arith.divf %reduce_sum3A_118, %max3A_133 : f32
      %mul3A_140 = arith.constant 1.000000e-01 : f32
      %mul3A_141 = arith.mulf %mul3A_140, %div3A_139 : f32
      %add3A_142 = arith.addf %mul3A_135, %mul3A_138 : f32
      %add3A_143 = arith.addf %add3A_142, %mul3A_141 : f32
      %eq3A_144 = arith.constant 0 : i32
      %eq3A_145 = vector.broadcast %eq3A_144 : i32 to vector<1x128xi32>
      %eq3A_146 = arith.cmpi eq, %iota3A, %eq3A_145 : vector<1x128xi32>
      %jit3A_147 = arith.constant 0.000000e+00 : f32
      %broadcast_in_dim3A_148 = vector.broadcast %mul3A_135 : f32 to vector<1x128xf32>
      %broadcast_in_dim3A_149 = vector.broadcast %jit3A_147 : f32 to vector<1x128xf32>
      %select_n3A_150 = arith.select %eq3A_146, %broadcast_in_dim3A_148, %broadcast_in_dim3A_149 : vector<1x128xi1>, vector<1x128xf32>
      %eq3A_151 = arith.constant 1 : i32
      %eq3A_152 = vector.broadcast %eq3A_151 : i32 to vector<1x128xi32>
      %eq3A_153 = arith.cmpi eq, %iota3A, %eq3A_152 : vector<1x128xi32>
      %jit3A_154 = arith.constant 0.000000e+00 : f32
      %broadcast_in_dim3A_155 = vector.broadcast %mul3A_138 : f32 to vector<1x128xf32>
      %broadcast_in_dim3A_156 = vector.broadcast %jit3A_154 : f32 to vector<1x128xf32>
      %select_n3A_157 = arith.select %eq3A_153, %broadcast_in_dim3A_155, %broadcast_in_dim3A_156 : vector<1x128xi1>, vector<1x128xf32>
      %add3A_158 = arith.addf %select_n3A_150, %select_n3A_157 : vector<1x128xf32>
      %eq3A_159 = arith.constant 2 : i32
      %eq3A_160 = vector.broadcast %eq3A_159 : i32 to vector<1x128xi32>
      %eq3A_161 = arith.cmpi eq, %iota3A, %eq3A_160 : vector<1x128xi32>
      %jit3A_162 = arith.constant 0.000000e+00 : f32
      %broadcast_in_dim3A_163 = vector.broadcast %mul3A_141 : f32 to vector<1x128xf32>
      %broadcast_in_dim3A_164 = vector.broadcast %jit3A_162 : f32 to vector<1x128xf32>
      %select_n3A_165 = arith.select %eq3A_161, %broadcast_in_dim3A_163, %broadcast_in_dim3A_164 : vector<1x128xi1>, vector<1x128xf32>
      %add3A_166 = arith.addf %add3A_158, %select_n3A_165 : vector<1x128xf32>
      %eq3A_167 = arith.constant 3 : i32
      %eq3A_168 = vector.broadcast %eq3A_167 : i32 to vector<1x128xi32>
      %eq3A_169 = arith.cmpi eq, %iota3A, %eq3A_168 : vector<1x128xi32>
      %jit3A_170 = arith.constant 0.000000e+00 : f32
      %broadcast_in_dim3A_171 = vector.broadcast %add3A_143 : f32 to vector<1x128xf32>
      %broadcast_in_dim3A_172 = vector.broadcast %jit3A_170 : f32 to vector<1x128xf32>
      %select_n3A_173 = arith.select %eq3A_169, %broadcast_in_dim3A_171, %broadcast_in_dim3A_172 : vector<1x128xi1>, vector<1x128xf32>
      %add3A_174 = arith.addf %add3A_166, %select_n3A_173 : vector<1x128xf32>
      %eq3A_175 = arith.constant 4 : i32
      %eq3A_176 = vector.broadcast %eq3A_175 : i32 to vector<1x128xi32>
      %eq3A_177 = arith.cmpi eq, %iota3A, %eq3A_176 : vector<1x128xi32>
      %jit3A_178 = arith.constant 6.400000e+01 : f32
      %jit3A_179 = arith.constant 0.000000e+00 : f32
      %broadcast_in_dim3A_180 = vector.broadcast %jit3A_178 : f32 to vector<1x128xf32>
      %broadcast_in_dim3A_181 = vector.broadcast %jit3A_179 : f32 to vector<1x128xf32>
      %select_n3A_182 = arith.select %eq3A_177, %broadcast_in_dim3A_180, %broadcast_in_dim3A_181 : vector<1x128xi1>, vector<1x128xf32>
      %add3A_183 = arith.addf %add3A_174, %select_n3A_182 : vector<1x128xf32>
      %swap3A_184 = arith.constant 0 : index
      %swap3A_185 = arith.constant 0 : index
      %swap3A_186 = vector.load %arg4[%swap3A_184, %swap3A_185] : memref<1x128xf32, #tpu.memory_space<vmem>>, vector<1x128xf32>
      tpu.vector_store %arg4[%swap3A_184, %swap3A_185], %add3A_183 {strides = array<i32>} : memref<1x128xf32, #tpu.memory_space<vmem>>, vector<1x128xf32>,
    } else {
    }
    return
  }
  func.func @transform_0(%arg0: i32) -> (i32, i32) {
    %c0_i32 = arith.constant 0 : i32
    %c0_i32_0 = arith.constant 0 : i32
    %c0_i32_1 = arith.constant 0 : i32
    return %c0_i32, %c0_i32_0 : i32, i32
  }
  func.func @transform_1(%arg0: i32) -> (i32, i32) {
    %c0_i32 = arith.constant 0 : i32
    %c0_i32_0 = arith.constant 0 : i32
    return %arg0, %c0_i32 : i32, i32
  }
  func.func @transform_2(%arg0: i32) -> (i32, i32) {
    %c0_i32 = arith.constant 0 : i32
    %c0_i32_0 = arith.constant 0 : i32
    return %arg0, %c0_i32 : i32, i32
  }
  func.func @transform_3(%arg0: i32) -> (i32, i32) {
    %c0_i32 = arith.constant 0 : i32
    %c0_i32_0 = arith.constant 0 : i32
    %c0_i32_1 = arith.constant 0 : i32
    return %c0_i32, %c0_i32_0 : i32, i32
  }
}

</mosaic_0001>

<sc_bundles>
// kernel: _run.4.cloned.1.call-start
scs
__scs_entry_jumppad:
0x0: {  	(pc) =	sbr.rel $0x88, $3  }
0x1: {  	(tag) =	ssettag $0x0;
	lr =	simm.s32 $0x1  }
0x2: {  	[smem:$0x3F9C] =	sst lr;
	_ =	strace $0xD0000000  }
0x3: {  	_ = 	snop  }
0x4: {  	_ = 	snop  }
0x5: {  	_ = 	snop  }
0x6: {  	_ = 	snop  }
0x7: {  	_ = 	snop  }
__scs_overlays_trampoline_lowered:
0x8: {  	[smem:$0x3FAB] =	sst s0  }
0x9: {  	[smem:$0x3FAC] =	sst s1  }
0xa: {  	[smem:$0x3FAD] =	sst s2  }
0xb: {  	[smem:$0x3FAE] =	sst s3  }
0xc: {  	[smem:$0x3FAF] =	sst s4  }
0xd: {  	[smem:$0x3FB0] =	sst s5  }
0xe: {  	[smem:$0x3FB1] =	sst s6  }
0xf: {  	[smem:$0x3FB2] =	sst s7  }
0x10: {  	[smem:$0x3FB3] =	sst s8  }
0x11: {  	[smem:$0x3FB4] =	sst s9;
	s0 =	simm.s32 @!p0 $0x0  }
0x12: {  	s1 =	sld [smem:$0x3F9A];
	s0 =	simm.s32 @p0 $0x1  }
0x13: {  	[smem:$0x3FB5] =	sst s0;
	s0 =	simm.s32 @!p1 $0x0  }
0x14: {  	s2 =	sld [smem:$0x3F99];
	s0 =	simm.s32 @p1 $0x1  }
0x15: {  	[smem:$0x3FB6] =	sst s0;
	s0 =	simm.s32 @!p2 $0x0  }
0x16: {  	s3 =	sld [smem:$0x3FDB];
	s0 =	simm.s32 @p2 $0x1  }
0x17: {  	s4 =	simm.s32 $0x1BF5;
	[smem:$0x3FB8] =	sst s0  }
0x18: {  	s0 =	sld [smem:$0x3F9B];
	_ =	swait.ge [sflag:s4], $0x0  }
0x19: {  	s7 =	sld [smem:$0x3F9C]  }
0x1a: {  	s8 =	sadd.s32 $0xFFFFE003, lr  }
0x1b: {  	s9 =	sadd.s32 $0xFFFFFEF7, lr;
	s5 =	simm.s32 $0xFFFFFFFF;
	p2 =	slt.u32 s8, $0xFFFFF086  }
0x1c: {  	p1 =	slt.u32 s9, $0xF7A;
	s5 =	simm.s32 @!p2 $0x0  }
0x1d: {  	s5 =	simm.s32 @p1 $0x1;
	p0 =	seq.s32 s7, s2  }
0x1e: {  	s7 =	smul.u32 @!p0 $0xF7A, s2;
	p2 =	seq.s32 @!p0 s5, $0x0  }
0x1f: {  	s9 =	smul.u32 $0xF7A, s1;
	s8 =	simm.s32 @!p0 $0x1BF5;
	p2 =	por !p2, p0  }
0x20: {  	[sflag:s8] =	ssyncset.s32 @!p0 $0xFFFFF086;
	s6 =	sadd.s32 @!p0 s3, s7;
	s7 =	simm.s32 @!p0 $0x108  }
0x21: {  	s3 =	sadd.s32 s3, s9;
	s6 =	sadd.s32 @!p0 $0x88, s6;
	s7 =	simm.s32 @p2 $0x1082  }
0x22: {  	[simem:s7], [sflag:s8] =	dma.local @!p0 [hbm:s6], $0xF7A  }
0x23: {  	s9 =	sor.u32 $0xD0000000, s2;
	s6 =	simm.s32 $0x108;
	_ =	swait.ge @!p0 [sflag:s8], $0x0  }
0x24: {  	s3 =	sadd.s32 $0x88, s3;
	s6 =	simm.s32 @!p1 $0x1082;
	[sflag:s4] =	ssyncset.s32 $0xFFFFF086  }
0x25: {  	[simem:s6], [sflag:s4] =	dma.local [hbm:s3], $0xF7A  }
0x26: {  	[smem:$0x3F9C] =	sst s1;
	(tag) =	ssettag s2;
	_ =	strace s9  }
0x27: {  	s1 =	sld [smem:$0x3FAC]  }
0x28: {  	s2 =	sld [smem:$0x3FAD]  }
0x29: {  	s4 =	sld [smem:$0x3FAF]  }
0x2a: {  	p0 =	seq.s32 s5, $0x0;
	s5 =	sld [smem:$0x3FB0]  }
0x2b: {  	s6 =	sld [smem:$0x3FB1]  }
0x2c: {  	s7 =	sld [smem:$0x3FB2]  }
0x2d: {  	s3 =	simm.s32 $0x108;
	s8 =	sld [smem:$0x3FB3]  }
0x2e: {  	s3 =	simm.s32 @!p0 $0x1082;
	s9 =	sld [smem:$0x3FB4]  }
0x2f: {  	lr =	sadd.s32 s0, s3;
	s0 =	sld [smem:$0x3FAB]  }
0x30: {  	s3 =	sld [smem:$0x3FAE]  }
0x31: {  	[smem:$0x3FB7] =	sst s10  }
0x32: {  	s10 =	sld [smem:$0x3FB5];
	_ =	sdelay $0x3  }
0x33: {  	p0 =	seq.s32 s10, $0x1;
	s10 =	sld [smem:$0x3FB7];
	_ =	sdelay $0x3  }
0x34: {  	[smem:$0x3FB7] =	sst s10  }
0x35: {  	s10 =	sld [smem:$0x3FB6];
	_ =	sdelay $0x3  }
0x36: {  	p1 =	seq.s32 s10, $0x1;
	s10 =	sld [smem:$0x3FB7];
	_ =	sdelay $0x3  }
0x37: {  	[smem:$0x3FB7] =	sst s10  }
0x38: {  	s10 =	sld [smem:$0x3FB8]  }
0x39: {  	_ = 	snop;
	(pc) =	sbr.ind lr, $3  }
0x3a: {  	_ = 	snop  }
0x3b: {  	_ = 	snop  }
0x3c: {  	p2 =	seq.s32 s10, $0x1;
	s10 =	sld [smem:$0x3FB7]  }
0x3d: {  	_ =	shalt  }
0x3e: {  	_ =	shalt  }
0x3f: {  	_ =	shalt  }
0x40: {  	_ =	shalt  }
0x41: {  	_ =	shalt  }
0x42: {  	_ =	shalt  }
0x43: {  	_ =	shalt  }
0x44: {  	_ =	shalt  }
0x45: {  	_ =	shalt  }
0x46: {  	_ =	shalt  }
0x47: {  	_ =	shalt  }
0x48: {  	_ =	shalt  }
0x49: {  	_ =	shalt  }
0x4a: {  	_ =	shalt  }
0x4b: {  	_ =	shalt  }
0x4c: {  	_ =	shalt  }
0x4d: {  	_ =	shalt  }
0x4e: {  	_ =	shalt  }
0x4f: {  	_ =	shalt  }
0x50: {  	_ =	shalt  }
0x51: {  	_ =	shalt  }
0x52: {  	_ =	shalt  }
0x53: {  	_ =	shalt  }
0x54: {  	_ =	shalt  }
0x55: {  	_ =	shalt  }
0x56: {  	_ =	shalt  }
0x57: {  	_ =	shalt  }
0x58: {  	_ =	shalt  }
0x59: {  	_ =	shalt  }
0x5a: {  	_ =	shalt  }
0x5b: {  	_ =	shalt  }
0x5c: {  	_ =	shalt  }
0x5d: {  	_ =	shalt  }
0x5e: {  	_ =	shalt  }
0x5f: {  	_ =	shalt  }
0x60: {  	_ =	shalt  }
0x61: {  	_ =	shalt  }
0x62: {  	_ =	shalt  }
0x63: {  	_ =	shalt  }
0x64: {  	_ =	shalt  }
0x65: {  	_ =	shalt  }
0x66: {  	_ =	shalt  }
0x67: {  	_ =	shalt  }
0x68: {  	_ =	shalt  }
0x69: {  	_ =	shalt  }
0x6a: {  	_ =	shalt  }
0x6b: {  	_ =	shalt  }
0x6c: {  	_ =	shalt  }
0x6d: {  	_ =	shalt  }
0x6e: {  	_ =	shalt  }
0x6f: {  	_ =	shalt  }
0x70: {  	_ =	shalt  }
0x71: {  	_ =	shalt  }
0x72: {  	_ =	shalt  }
0x73: {  	_ =	shalt  }
0x74: {  	_ =	shalt  }
0x75: {  	_ =	shalt  }
0x76: {  	_ =	shalt  }
0x77: {  	_ =	shalt  }
0x78: {  	_ =	shalt  }
0x79: {  	_ =	shalt  }
0x7a: {  	_ =	shalt  }
0x7b: {  	_ =	shalt  }
0x7c: {  	_ =	shalt  }
0x7d: {  	_ =	shalt  }
0x7e: {  	_ =	shalt  }
0x7f: {  	_ =	shalt  }
0x80: {  	_ =	shalt  }
0x81: {  	_ =	shalt  }
0x82: {  	_ =	shalt  }
0x83: {  	_ =	shalt  }
0x84: {  	_ =	shalt  }
0x85: {  	_ =	shalt  }
0x86: {  	_ =	shalt  }
0x87: {  	_ =	shalt  }
.Lfunc_end0:
.L_simem_size_0:
called_computation_lowered:
.L_overlay_start_0:
0x88: {  	s2 =	sld [smem:$0x3FD9]  }
0x89: {  	s3 =	sld [smem:$0x3FFE];
	_ =	sdelay $0x1  }
0x8a: {  	s1 =	srdreg.scid  }
0x8b: {  	s0 =	sand.u32 $0x1, s1  }
0x8c: {  	s17 =	sshll.u32 s0, $0xA;
	s2 =	sadd.s32 s3, s2  }
0x8d: {  	s2 =	sadd.s32 s2, s17  }
0x8e: {  	[smem:$0x3FC3] =	sst s2  }
0x8f: {  	_ = 	snop  }
0x90: {  	s2 =	sld [smem:$0x3FC8]  }
0x91: {  	s18 =	sld [smem:$0x3FC7];
	(tm) =	ssettm $0x1  }
0x92: {  	s4 =	sld [smem:$0x3FFB];
	_ =	sdelay $0x3  }
0x93: {  	_ =	strace s4  }
0x94: {  	s4 =	sld [smem:$0x3FFC];
	_ =	sdelay $0x3  }
0x95: {  	_ =	strace s4  }
0x96: {  	s4 =	sld [smem:$0x3FFD];
	_ =	sdelay $0x3  }
0x97: {  	_ =	strace s4  }
0x98: {  	_ =	strace $0x8FFFFFFF  }
0x99: {  	s19 =	sld [smem:$0x3FDB];
	_ =	sdelay $0x1  }
0x9a: {  	s5 =	simm.s32 $_scs_section_size  }
0x9b: {  	s6 =	simm.s32 $_size__tile_overlayer_lowered;
	s7 =	simm.s32 $_tile_overlayer_lowered  }
0x9c: {  	s22 =	simm.s32 $0x1BFF;
	s21 =	sshll.u32 s7, $0x1;
	s4 =	sadd.s32 s5, s19  }
0x9d: {  	s8 =	simm.s32 $0x0;
	s20 =	sshll.u32 s6, $0x1;
	s6 =	sadd.s32 s21, s4  }
0x9e: {  	[timem:s8], [sflag:s22] =	dma.local [hbm:s6], s20  }
0x9f: {  	_ =	swait.ge [sflag:s22], s20  }
0xa0: {  	s5 =	ssub.s32 $0x0, s20;
	[sflag:s22] =	ssyncset.done $0x0  }
0xa1: {  	[sflag:s22] =	ssyncadd.s32 s5;
	_ =	sdelay $0x1  }
0xa2: {  	s23 =	simm.s32 $0x1B8B  }
0xa3: {  	_ =	swait.ge [sflag:s23], $0x1  }
0xa4: {  	[sflag:s23] =	ssyncset.done $0x0  }
0xa5: {  	s25 =	simm.s32 $0x1B8E;
	s24 =	sld [smem:$0x3FFE];
	[sflag:s23] =	ssyncadd.s32 $0xFFFFFFFF  }
0xa6: {  	s26 =	simm.s32 $execute0_lowered;
	[smem:$0x3FD2] =	sst s25  }
0xa7: {  	s6 =	sshll.u32 s26, $0x1;
	_ =	strace $0x80000046;
	[dreg:$0x1] =	wrdreg $0xFFFFFFFF  }
0xa8: {  	s28 =	simm.s32 $_size_execute0_lowered;
	s4 =	sadd.s32 s4, s6;
	[dreg:$0x0] =	wrdreg $0x0  }
0xa9: {  	s6 =	sshll.u32 s28, $0x1;
	[dreg:$0x2] =	wrdreg s4  }
0xaa: {  	[dreg:$0x3] =	wrdreg s6  }
0xab: {  	[dreg:$0x4] =	wrdreg $0xC0  }
0xac: {  	_ =	task [dreg:s8], $0x5FFFF  }
0xad: {  	[dreg:$0x1] =	wrdreg $0xFFFFFFFF  }
0xae: {  	[dreg:$0x0] =	wrdreg $0x60  }
0xaf: {  	[dreg:$0x2] =	wrdreg s24  }
0xb0: {  	[dreg:$0x3] =	wrdreg s2  }
0xb1: {  	[dreg:$0x4] =	wrdreg s18  }
0xb2: {  	[dreg:$0x5] =	wrdreg $0x9  }
0xb3: {  	_ =	task.clear_ibuf [dreg:s8], $0x6FFFF;
	_ =	strace $0x90000046  }
0xb4: {  	s29 =	simm.s32 $0x9;
	_ =	strace $0x80000048  }
0xb5: {  	_ =	swait.ge [sflag:s29], $0x1  }
0xb6: {  	[sflag:s29] =	ssyncadd.s32 $0xFFFFFFFF  }
0xb7: {  	_ =	strace $0x90000048  }
0xb8: {  	_ =	sfence  }
0xb9: {  	s30 =	sld [smem:$0x0];
	_ =	sdelay $0x2  }
0xba: {  	s31 =	sshll.u32 s1, $0xD;
	s1 =	sshrl.u32 s1, $0x2  }
0xbb: {  	s3 =	sand.u32 $0x4000, s31;
	s1 =	sadd.s32 s1, s30  }
0xbc: {  	s0 =	sor.u32 s3, s0;
	s1 =	sshll.u32 s1, $0x11  }
0xbd: {  	s0 =	sor.u32 s1, s0  }
0xbe: {  	s0 =	sadd.s32 $0x8F2B, s0  }
0xbf: {  	[sflag:s0] =	ssyncadd.remote.s32 $0x1  }
0xc0: {  	_ =	sfence.sel $0xFFFF  }
0xc1: {  	[dreg:$0x0] =	wrdreg $0xFFFFFFFF;
	(pc) =	sbr.abs _section_cstart, $3  }
0xc2: {  	[dreg:$0x1] =	wrdreg $0xFFFFFFFF  }
0xc3: {  	_ =	task.clear_ibuf [dreg:s8], $0x2FFFF;
	_ =	strace $0x9FFFFFFF  }
0xc4: {  	(tm) =	ssettm $0x7FFFFFFF  }
0xc5: {  	_ =	shalt  }
tec
execute0_lowered:
.L_overlay_start_1:
0x0: {  	(tag) =	ssettag $0x1  }
0x1: {  	v0 =	vlaneseq.u32;
	v2 =	vimm.f32 $8.000000000e+00  }
0x2: {  	v8 =	vimm.s32 $0xB80;
	vm2 =	vcmask $0x300;
	vm0 =	vcmask $0x704  }
0x3: {  	vm1 =	vcmask $0xB08;
	vm3 =	vcmask $0xF0C;
	vm4 =	vcmask $0x1310  }
0x4: {  	v13 =	vimm.s32 $0x1B80;
	v14 =	vimm.s32 $0x2B80;
	v15 =	vimm.s32 $0x3B80  }
0x5: {  	s5 =	rddreg [dreg:$0x0];
	vm5 =	vcmask $0x1714;
	v1 =	vmul.u32 $0x2, v0;
	v9 =	vsel vm2, $0x0, v8  }
0x6: {  	s4 =	rddreg [dreg:$0x1];
	s2 =	simm.s32 $0x0;
	v13 =	vsel vm2, $0x1000, v13;
	v14 =	vsel vm2, $0x2000, v14;
	v15 =	vsel vm2, $0x3000, v15  }
0x7: {  	[smem:$0x7FF] =	sst s2;
	vm2 =	vmmov $0x7fff;
	v21 =	vshrl.u32 v0, $0x3;
	v10 =	vsel vm0, $0x80, v9  }
0x8: {  	s0 =	rddreg [dreg:$0x2];
	_ =	strace $0x80000047;
	v13 =	vsel vm0, $0x1080, v13;
	v14 =	vsel vm0, $0x2080, v14;
	v15 =	vsel vm0, $0x3080, v15  }
0x9: {  	(erf) = vrcp.f32 v2;
	v4 =	vor.u32 $0x1, v1;
	v5 =	vor.u32 $0x20, v1  }
0xa: {  	s9 =	stileid.u32;
	s1 =	srdreg.scid;
	v6 =	vor.u32 $0x21, v1;
	v7 =	vor.u32 $0x40, v1;
	v8 =	vor.u32 $0x41, v1  }
0xb: {  	s8 =	sand.u32 $0x1, s1;
	s24 =	sshll.u32 s9, $0x1;
	v9 =	vor.u32 $0x60, v1;
	v11 =	vsel vm1, $0x100, v10;
	v10 =	vor.u32 $0x61, v1  }
0xc: {  	s7 =	sor.u32 s8, s24;
	v13 =	vsel vm1, $0x1100, v13;
	v14 =	vsel vm1, $0x2100, v14;
	v15 =	vsel vm1, $0x3100, v15  }
0xd: {  	s6 =	sand.u32 $0x3, s7;
	v12 =	vsel vm3, $0x180, v11;
	v11 =	vimm.f32 $0.0e+00;
	v13 =	vsel vm3, $0x1180, v13  }
0xe: {  	s3 =	sshll.u32 s6, $0x6;
	v14 =	vsel vm3, $0x2180, v14;
	v15 =	vsel vm3, $0x3180, v15;
	vm3 =	vcmask $0x1B18  }
0xf: {  	v2 =	vmov s3;
	v12 =	vsel vm4, $0x200, v12;
	v13 =	vsel vm4, $0x1200, v13  }
0x10: {  	s1 =	sadd.s32 $0x40, s3;
	v14 =	vsel vm4, $0x2200, v14;
	v15 =	vsel vm4, $0x3200, v15;
	vm4 =	vcmask $0x1F1C  }
0x11: {  	v3 =	vmov s1;
	v16 =	vsel vm5, $0x280, v12;
	v12 =	vimm.s32 $0x0  }
0x12: {  	v17 =	vsel vm5, $0x1280, v13;
	v14 =	vsel vm5, $0x2280, v14;
	v15 =	vsel vm5, $0x3280, v15  }
0x13: {  	v13 =	vor.u32 $0x10, v0;
	v16 =	vsel vm3, $0x300, v16;
	v17 =	vsel vm3, $0x1300, v17  }
0x14: {  	v18 =	vsel vm3, $0x2300, v14;
	v15 =	vsel vm3, $0x3300, v15;
	vm3 =	vcmask $0x2320  }
0x15: {  	v14 =	vor.u32 $0x20, v0;
	v16 =	vsel vm4, $0x380, v16;
	v17 =	vsel vm4, $0x1380, v17  }
0x16: {  	v18 =	vsel vm4, $0x2380, v18;
	v19 =	vsel vm4, $0x3380, v15;
	vm4 =	vcmask $0x2724  }
0x17: {  	v15 =	vor.u32 $0x30, v0;
	v16 =	vsel vm3, $0x800, v16;
	v17 =	vsel vm3, $0x1800, v17  }
0x18: {  	s16 =	simm.s32 $0xC500;
	s17 =	simm.s32 $0x500;
	v18 =	vsel vm3, $0x2800, v18;
	v19 =	vsel vm3, $0x3800, v19;
	vm3 =	vcmask $0x2B28  }
0x19: {  	s18 =	simm.s32 $0x8500;
	s21 =	simm.s32 $0x9D00;
	s22 =	simm.s32 $0xA500;
	v20 =	vsel vm4, $0x880, v16;
	v16 =	vand.u32 $0x7, v0;
	v17 =	vsel vm4, $0x1880, v17  }
0x1a: {  	s23 =	simm.s32 $0xAD00;
	s28 =	simm.s32 $0xBD00;
	s9 =	sshrl.u32 s9, $0x1;
	v18 =	vsel vm4, $0x2880, v18;
	v19 =	vsel vm4, $0x3880, v19;
	vm4 =	vcmask $0x2F2C  }
0x1b: {  	s29 =	simm.s32 $0x10D00;
	s30 =	simm.s32 $0x0;
	s10 =	sshll.u32 s9, $0x4;
	v20 =	vsel vm3, $0x900, v20;
	v22 =	vsel vm3, $0x1900, v17;
	v18 =	vsel vm3, $0x2900, v18  }
0x1c: {  	s8 =	ssub.s32 $0x2, s8;
	s11 =	sshll.u32 s9, $0xD;
	s26 =	sshll.u32 s9, $0xE;
	v19 =	vsel vm3, $0x3900, v19;
	vm3 =	vcmask $0x3330;
	v17 =	vmul.u32 $0x8, v21  }
0x1d: {  	s24 =	simm.s32 $0xB500;
	s10 =	sadd.s32 s10, s5;
	s7 =	sshll.u32 s7, $0x4;
	v20 =	vsel vm4, $0x980, v20;
	v21 =	vsel vm4, $0x1980, v22;
	v18 =	vsel vm4, $0x2980, v18  }
0x1e: {  	s12 =	sshrl.u32 s8, $0x1;
	s13 =	sadd.s32 s11, s5;
	s14 =	sadd.s32 s7, s5;
	v19 =	vsel vm4, $0x3980, v19;
	vm4 =	vcmask $0x3734;
	v20 =	vsel vm3, $0xA00, v20  }
0x1f: {  	s12 =	ssub.s32 s8, s12;
	s5 =	sadd.s32 $0x1000, s10;
	s25 =	sshll.u32 s6, $0xB;
	v21 =	vsel vm3, $0x1A00, v21;
	v18 =	vsel vm3, $0x2A00, v18;
	v19 =	vsel vm3, $0x3A00, v19  }
0x20: {  	s6 =	sadd.s32 $0x1200, s10;
	s7 =	sadd.s32 s4, s26;
	s10 =	sadd.s32 s0, s11;
	vm3 =	vmmov $0xffff;
	v20 =	vsel vm4, $0xA80, v20;
	v21 =	vsel vm4, $0x1A80, v21  }
0x21: {  	s26 =	simm.s32 $0x4500;
	s31 =	sadd.s32 s25, s13;
	s9 =	sadd.s32 $0x2000, s7;
	v22 =	vsel vm4, $0x2A80, v18;
	v23 =	vsel vm4, $0x3A80, v19;
	vm4 =	vcmask $0x3B38  }
0x22: {  	s11 =	sadd.s32 $0x11400, s14;
	s12 =	smax.u32 s12, $0x1;
	s13 =	ssub.s32 $0x0, s3;
	v18 =	vor.u32 $0x8, v0;
	v19 =	vsel vm4, $0xB00, v20;
	v20 =	vsel vm4, $0x1B00, v21  }
0x23: {  	s14 =	simm.s32 $0x2;
	s25 =	simm.s32 $0x1;
	s8 =	sadd.s32 $0x1400, s31;
	v22 =	vsel vm4, $0x2B00, v22;
	v23 =	vsel vm4, $0x3B00, v23;
	vm4 =	vmmov $0x1;
	v21 =	vpop (erf)  }
.LBB2_1:
0x24: {  	[tilespmem:s2], [sflag:$0x2] =	stream.linear.gather [hbm4b:s5+s2], $0x80, $0x38;
	[tilespmem:$0x10D80] =	vst v63  }
0x25: {  	_ =	swait.ge [sflag:s14], $0x80  }
0x26: {  	[sflag:s14] =	ssyncset.done $0x0  }
0x27: {  	s0 =	simm.s32 $0x480;
	[sflag:s14] =	ssyncadd.s32 $0xFFFFFF80  }
0x28: {  	[tilespmem:s0], [sflag:$0x2] =	stream.linear.gather [hbm4b:s6+s2], $0x80, $0x38;
	[tilespmem:$0x10D80] =	vst v63  }
0x29: {  	_ =	swait.ge [sflag:s14], $0x80  }
0x2a: {  	[sflag:s14] =	ssyncset.done $0x0  }
0x2b: {  	[sflag:s14] =	ssyncadd.s32 $0xFFFFFF80  }
0x2c: {  	v24 =	vld.idx.msk [tilespmem:v1+s2+$0x0], $0xffff  }
0x2d: {  	v25 =	vld.idx.msk [tilespmem:v4+s2+$0x0], $0xffff;
	_ =	sdelay $0x3  }
0x2e: {  	v24 =	vmul.f32 $2.550000000e+02, v24  }
0x2f: {  	v25 =	vmul.f32 $2.550000000e+02, v25  }
0x30: {  	v26 =	vadd.f32 $1.258291200e+07, v24  }
0x31: {  	v27 =	vadd.f32 $1.258291200e+07, v25  }
0x32: {  	v26 =	vadd.f32 $-1.258291200e+07, v26  }
0x33: {  	v27 =	vadd.f32 $-1.258291200e+07, v27  }
0x34: {  	v26 =	vmax.f32 v26, $0.0e+00  }
0x35: {  	v27 =	vmax.f32 v27, $0.0e+00;
	v26 =	vmin.f32 v26, $2.550000000e+02  }
0x36: {  	[tilespmem:$0x80] =	vst v24;
	v27 =	vmin.f32 v27, $2.550000000e+02;
	v24 =	vsub.f32 v24, v26  }
0x37: {  	[tilespmem:$0x100] =	vst v25;
	v28 =	vtrunc.f32 v26;
	v25 =	vsub.f32 v25, v27  }
0x38: {  	v29 =	vtrunc.f32 v27;
	v28 =	vcvt.f32.s32 v28;
	[tilespmem:$0x280] =	vst v24  }
0x39: {  	v29 =	vcvt.f32.s32 v29;
	[tilespmem:$0x300] =	vst v25  }
0x3a: {  	[tilespmem:$0x180] =	vst v28  }
0x3b: {  	[tilespmem:$0x200] =	vst v29;
	v48 =	vshll.u32 v29, $0x8  }
0x3c: {  	[tilespmem:$0x400] =	vst v29;
	v24 =	vadd.s32 v28, v48  }
0x3d: {  	[tilespmem:$0x380] =	vst v24  }
0x3e: {  	v24 =	vld.idx.msk [tilespmem:v5+s2+$0x0], $0xffff  }
0x3f: {  	v25 =	vld.idx.msk [tilespmem:v6+s2+$0x0], $0xffff;
	_ =	sdelay $0x3  }
0x40: {  	v24 =	vmul.f32 $2.550000000e+02, v24  }
0x41: {  	v25 =	vmul.f32 $2.550000000e+02, v25  }
0x42: {  	v49 =	vadd.f32 $1.258291200e+07, v24  }
0x43: {  	v50 =	vadd.f32 $1.258291200e+07, v25  }
0x44: {  	v26 =	vadd.f32 $-1.258291200e+07, v49  }
0x45: {  	v27 =	vadd.f32 $-1.258291200e+07, v50  }
0x46: {  	v26 =	vmax.f32 v26, $0.0e+00  }
0x47: {  	v27 =	vmax.f32 v27, $0.0e+00;
	v26 =	vmin.f32 v26, $2.550000000e+02  }
0x48: {  	[tilespmem:$0x90] =	vst v24;
	v27 =	vmin.f32 v27, $2.550000000e+02;
	v24 =	vsub.f32 v24, v26  }
0x49: {  	[tilespmem:$0x110] =	vst v25;
	v51 =	vtrunc.f32 v26;
	v25 =	vsub.f32 v25, v27  }
0x4a: {  	v52 =	vtrunc.f32 v27;
	v28 =	vcvt.f32.s32 v51;
	[tilespmem:$0x290] =	vst v24  }
0x4b: {  	v29 =	vcvt.f32.s32 v52;
	[tilespmem:$0x310] =	vst v25  }
0x4c: {  	[tilespmem:$0x190] =	vst v28  }
0x4d: {  	[tilespmem:$0x210] =	vst v29;
	v53 =	vshll.u32 v29, $0x8  }
0x4e: {  	[tilespmem:$0x410] =	vst v29;
	v24 =	vadd.s32 v28, v53  }
0x4f: {  	[tilespmem:$0x390] =	vst v24  }
0x50: {  	v24 =	vld.idx.msk [tilespmem:v7+s2+$0x0], $0xffff  }
0x51: {  	v25 =	vld.idx.msk [tilespmem:v8+s2+$0x0], $0xffff;
	_ =	sdelay $0x3  }
0x52: {  	v24 =	vmul.f32 $2.550000000e+02, v24  }
0x53: {  	v25 =	vmul.f32 $2.550000000e+02, v25  }
0x54: {  	v54 =	vadd.f32 $1.258291200e+07, v24  }
0x55: {  	v55 =	vadd.f32 $1.258291200e+07, v25  }
0x56: {  	v26 =	vadd.f32 $-1.258291200e+07, v54  }
0x57: {  	v27 =	vadd.f32 $-1.258291200e+07, v55  }
0x58: {  	v26 =	vmax.f32 v26, $0.0e+00  }
0x59: {  	v27 =	vmax.f32 v27, $0.0e+00;
	v26 =	vmin.f32 v26, $2.550000000e+02  }
0x5a: {  	[tilespmem:$0xA0] =	vst v24;
	v27 =	vmin.f32 v27, $2.550000000e+02;
	v24 =	vsub.f32 v24, v26  }
0x5b: {  	[tilespmem:$0x120] =	vst v25;
	v56 =	vtrunc.f32 v26;
	v25 =	vsub.f32 v25, v27  }
0x5c: {  	v57 =	vtrunc.f32 v27;
	v28 =	vcvt.f32.s32 v56;
	[tilespmem:$0x2A0] =	vst v24  }
0x5d: {  	v29 =	vcvt.f32.s32 v57;
	[tilespmem:$0x320] =	vst v25  }
0x5e: {  	[tilespmem:$0x1A0] =	vst v28  }
0x5f: {  	[tilespmem:$0x220] =	vst v29;
	v58 =	vshll.u32 v29, $0x8  }
0x60: {  	[tilespmem:$0x420] =	vst v29;
	v24 =	vadd.s32 v28, v58  }
0x61: {  	[tilespmem:$0x3A0] =	vst v24  }
0x62: {  	v24 =	vld.idx.msk [tilespmem:v9+s2+$0x0], $0xffff  }
0x63: {  	v25 =	vld.idx.msk [tilespmem:v10+s2+$0x0], $0xffff;
	_ =	sdelay $0x3  }
0x64: {  	v24 =	vmul.f32 $2.550000000e+02, v24  }
0x65: {  	v25 =	vmul.f32 $2.550000000e+02, v25  }
0x66: {  	v59 =	vadd.f32 $1.258291200e+07, v24  }
0x67: {  	v60 =	vadd.f32 $1.258291200e+07, v25  }
0x68: {  	v26 =	vadd.f32 $-1.258291200e+07, v59  }
0x69: {  	v27 =	vadd.f32 $-1.258291200e+07, v60  }
0x6a: {  	v26 =	vmax.f32 v26, $0.0e+00  }
0x6b: {  	v27 =	vmax.f32 v27, $0.0e+00;
	v26 =	vmin.f32 v26, $2.550000000e+02  }
0x6c: {  	[tilespmem:$0xB0] =	vst v24;
	v27 =	vmin.f32 v27, $2.550000000e+02;
	v24 =	vsub.f32 v24, v26  }
0x6d: {  	[tilespmem:$0x130] =	vst v25;
	v61 =	vtrunc.f32 v26;
	v25 =	vsub.f32 v25, v27  }
0x6e: {  	v62 =	vtrunc.f32 v27;
	v28 =	vcvt.f32.s32 v61;
	[tilespmem:$0x2B0] =	vst v24  }
0x6f: {  	v29 =	vcvt.f32.s32 v62;
	[tilespmem:$0x330] =	vst v25  }
0x70: {  	[tilespmem:$0x1B0] =	vst v28  }
0x71: {  	[tilespmem:$0x230] =	vst v29;
	v63 =	vshll.u32 v29, $0x8  }
0x72: {  	s31 =	sand.u32 $0x3800, s2;
	s4 =	sand.u32 $0x380, s2;
	[tilespmem:$0x430] =	vst v29;
	v24 =	vadd.s32 v28, v63  }
0x73: {  	s4 =	sor.u32 s4, s31;
	[tilespmem:$0x3B0] =	vst v24  }
0x74: {  	[tilespmem:s4+$0xC970] =	vst v11  }
0x75: {  	[tilespmem:s4+$0xC500] =	vst v11  }
0x76: {  	[tilespmem:s4+$0xC510] =	vst v11  }
0x77: {  	[tilespmem:s4+$0xC520] =	vst v11  }
0x78: {  	[tilespmem:s4+$0xC530] =	vst v11  }
0x79: {  	[tilespmem:s4+$0xC540] =	vst v11  }
0x7a: {  	[tilespmem:s4+$0xC550] =	vst v11  }
0x7b: {  	[tilespmem:s4+$0xC560] =	vst v11  }
0x7c: {  	[tilespmem:s4+$0xC570] =	vst v11  }
0x7d: {  	[tilespmem:s4+$0xC900] =	vst v11  }
0x7e: {  	[tilespmem:s4+$0xC910] =	vst v11  }
0x7f: {  	[tilespmem:s4+$0xC920] =	vst v11  }
0x80: {  	[tilespmem:s4+$0xC930] =	vst v11  }
0x81: {  	s15 =	simm.s32 $0x100;
	s0 =	simm.s32 $0x80;
	[tilespmem:s4+$0xC940] =	vst v11  }
0x82: {  	s19 =	sand.u32 $0x3800, s15;
	s15 =	simm.s32 $0x200;
	s20 =	sand.u32 $0x380, s0;
	[tilespmem:s4+$0xC950] =	vst v11  }
.LBB2_2:
0x83: {  	p0 =	sne.s32 s15, $0x3F00;
	[tilespmem:s4+$0xC960] =	vst v11;
	s4 =	sor.u32 s20, s19  }
0x84: {  	[tilespmem:s4+$0xC970] =	vst v11  }
0x85: {  	[tilespmem:s4+$0xC500] =	vst v11  }
0x86: {  	[tilespmem:s4+$0xC510] =	vst v11  }
0x87: {  	[tilespmem:s4+$0xC520] =	vst v11  }
0x88: {  	[tilespmem:s4+$0xC530] =	vst v11  }
0x89: {  	[tilespmem:s4+$0xC540] =	vst v11  }
0x8a: {  	[tilespmem:s4+$0xC550] =	vst v11  }
0x8b: {  	[tilespmem:s4+$0xC560] =	vst v11  }
0x8c: {  	[tilespmem:s4+$0xC570] =	vst v11  }
0x8d: {  	[tilespmem:s4+$0xC900] =	vst v11  }
.Ltmp0:
0x8e: {  	[tilespmem:s4+$0xC910] =	vst v11;
	(pc) =	sbr.rel @p0 .LBB2_2-.Ltmp0, $4  }
0x8f: {  	[tilespmem:s4+$0xC920] =	vst v11  }
0x90: {  	[tilespmem:s4+$0xC930] =	vst v11  }
0x91: {  	s0 =	sadd.s32 $0x80, s0;
	[tilespmem:s4+$0xC940] =	vst v11  }
0x92: {  	s19 =	sand.u32 $0x3800, s15;
	s15 =	sadd.s32 $0x100, s15;
	s20 =	sand.u32 $0x380, s0;
	[tilespmem:s4+$0xC950] =	vst v11  }
0x93: {  	s0 =	sor.u32 s20, s19;
	[tilespmem:s4+$0xC960] =	vst v11  }
0x94: {  	[tilespmem:s0+$0xC970] =	vst v11  }
0x95: {  	[tilespmem:s0+$0xC500] =	vst v11  }
0x96: {  	[tilespmem:s0+$0xC510] =	vst v11  }
0x97: {  	[tilespmem:s0+$0xC520] =	vst v11  }
0x98: {  	[tilespmem:s0+$0xC530] =	vst v11  }
0x99: {  	[tilespmem:s0+$0xC540] =	vst v11  }
0x9a: {  	[tilespmem:s0+$0xC550] =	vst v11  }
0x9b: {  	[tilespmem:s0+$0xC560] =	vst v11  }
0x9c: {  	[tilespmem:s0+$0xC570] =	vst v11  }
0x9d: {  	[tilespmem:s0+$0xC900] =	vst v11  }
0x9e: {  	[tilespmem:s0+$0xC910] =	vst v11  }
.Ltmp1:
0x9f: {  	[tilespmem:s0+$0xC920] =	vst v11;
	(pc) =	sbr.rel .LBB2_4-.Ltmp1, $4  }
0xa0: {  	[tilespmem:s0+$0xC930] =	vst v11  }
0xa1: {  	[tilespmem:s0+$0xC940] =	vst v11  }
0xa2: {  	[tilespmem:s0+$0xC950] =	vst v11  }
0xa3: {  	s31 =	simm.s32 $0x0;
	[tilespmem:s0+$0xC960] =	vst v11  }
.LBB2_6:
0xa4: {  	_ = 	snop  }
.LBB2_11:
0xa5: {  	v25 =	vor.u32 @p0 v31, v32;
	v26 =	vadd.f32 v28, v26  }
0xa6: {  	(erf) = vpow2.f32 @p0 v29  }
0xa7: {  	v28 =	vpop @p1 (erf);
	v26 =	vsub.f32 $0.0e+00, v26  }
0xa8: {  	v61 =	vmov s15;
	v28 =	vmax.f32 @p1 v30, v28  }
0xa9: {  	v29 =	vnsel vm5, $0x40, v61;
	[tilespmem:v27+s16+$0x0] =	vst.idx.msk @p1 $0xffff, v28;
	v26 =	vmul.f32 v26, v21  }
0xaa: {  	v62 =	vshll.u32 v29, $0x8;
	v28 =	vld.idx.msk @p0 [tilespmem:v25+s16+$0x0], $0xffff  }
0xab: {  	v29 =	vshll.u32 v29, $0x7;
	v27 =	vand.u32 $0xFFFFF800, v62;
	v26 =	vmul.f32 $1.442695020e+00, v26  }
0xac: {  	v29 =	vand.u32 $0x380, v29;
	v24 =	vor.u32 v27, v24;
	v25 =	vpsel p0, v25, v0  }
0xad: {  	v24 =	vor.u32 v29, v24;
	(erf) = vpow2.f32 v26;
	_ =	sdelay $0x1  }
0xae: {  	v27 =	vpop @p0 (erf);
	v26 =	vpsel p0, v28, v0  }
0xaf: {  	v26 =	vmax.f32 @p0 v26, v27  }
0xb0: {  	[tilespmem:v25+s16+$0x0] =	vst.idx.msk @p0 $0xffff, v26  }
0xb1: {  	v25 =	vld.idx.msk [tilespmem:v24+s16+$0x0], $0xffff;
	_ =	sdelay $0x3  }
0xb2: {  	v63 =	vpop (erf)  }
0xb3: {  	v25 =	vmax.f32 v25, v63  }
0xb4: {  	[tilespmem:v24+s16+$0x0] =	vst.idx.msk $0xffff, v25  }
.LBB2_12:
0xb5: {  	s31 =	sadd.s32 $0x1, s31  }
0xb6: {  	p0 =	sne.s32 s31, $0x40  }
.Ltmp2:
0xb7: {  	_ = 	snop;
	(pc) =	sbr.rel @!p0 .LBB2_13-.Ltmp2, $1  }
0xb8: {  	_ =	sdelay $0x3  }
.LBB2_4:
0xb9: {  	v24 =	vld [tilespmem:s31+$0x180]  }
0xba: {  	v25 =	vld [tilespmem:s31+$0x200];
	_ =	sdelay $0x3  }
0xbb: {  	(v2sf) =	vpush v24, $0x0  }
0xbc: {  	(v2sf) =	vpush v25, $0x0;
	_ =	sdelay $0xd  }
0xbd: {  	s15 =	spop (v2sf)  }
0xbe: {  	s0 =	spop (v2sf)  }
0xbf: {  	s4 =	smov.u32 s1;
	s19 =	sadd.s32 $0xFFFFFFF9, s0;
	s20 =	sadd.s32 $0x8, s0  }
0xc0: {  	s0 =	smov.u32 s3;
	p0 =	sgt.s32 s19, s3;
	p1 =	slt.s32 s20, s1  }
0xc1: {  	s0 =	smov.u32 @p0 s19;
	s4 =	smov.u32 @p1 s20  }
0xc2: {  	p0 =	sge.s32 s0, s4  }
.Ltmp3:
0xc3: {  	_ = 	snop;
	(pc) =	sbr.rel @p0 .LBB2_12-.Ltmp3, $1  }
0xc4: {  	_ =	sdelay $0x3  }
0xc5: {  	v25 =	vld [tilespmem:s31+$0x100]  }
0xc6: {  	s15 =	sadd.s32 $0xFFFFFFF9, s15  }
0xc7: {  	v26 =	vld.msk [tilespmem:s31+$0x80 ss:$0x0], $0xffff;
	v27 =	vmov s0;
	v24 =	vadd.s32 s15, v0  }
0xc8: {  	v27 =	vcvt.s32.f32 v27;
	vm5 =	vlt.u32 v24, $0x100;
	vm6 =	vgt.s32 v24, $0x0  }
0xc9: {  	s20 =	sadd.s32 $0x1, s0;
	vm5 =	vmand vm5, vm2;
	v28 =	vnsel vm6, $0x0, v24  }
0xca: {  	p2 =	sne.s32 s4, s20;
	v24 =	vcvt.s32.f32 v24;
	v28 =	vmin.u32 v28, $0xFF;
	v27 =	vsub.f32 v27, v25  }
.Ltmp4:
0xcb: {  	v28 =	vsel vm5, v28, v0;
	(pc) =	sbr.rel @!p2 .LBB2_6-.Ltmp4, $4  }
0xcc: {  	v26 =	vsub.f32 v24, v26;
	v24 =	vshll.u32 v28, $0x3;
	v27 =	vmul.f32 v27, v27  }
0xcd: {  	v28 =	vand.u32 $0x7F, v28;
	v24 =	vand.u32 $0x400, v24  }
0xce: {  	v26 =	vmul.f32 v26, v26;
	v24 =	vor.u32 v28, v24;
	v28 =	vbroadcast v27, $0x0  }
0xcf: {  	p0 =	por $0x0, $0x0;
	p1 =	por $0x0, $0x0;
	s15 =	sadd.s32 s0, s13  }
0xd0: {  	v27 =	vmov s20  }
0xd1: {  	v27 =	vcvt.s32.f32 v27  }
0xd2: {  	v28 =	vadd.f32 v28, v26;
	s19 =	sadd.s32 $0x1, s20  }
0xd3: {  	p2 =	sne.s32 s4, s19;
	v27 =	vsub.f32 v27, v25  }
.Ltmp5:
0xd4: {  	v29 =	vmov s15;
	v28 =	vsub.f32 $0.0e+00, v28;
	(pc) =	sbr.rel @!p2 .LBB2_8-.Ltmp5, $4  }
0xd5: {  	v29 =	vnsel vm5, $0x40, v29;
	v27 =	vmul.f32 v27, v27  }
0xd6: {  	v32 =	vmul.f32 v28, v21;
	v28 =	vshll.u32 v29, $0x8  }
0xd7: {  	v30 =	vshll.u32 v29, $0x7;
	v33 =	vand.u32 $0xFFFFF800, v28;
	v28 =	vbroadcast v27, $0x0  }
0xd8: {  	s15 =	sadd.s32 s20, s13;
	p0 =	por $0x1, $0x1;
	v31 =	vand.u32 $0x380, v30;
	v29 =	vmul.f32 $1.442695020e+00, v32;
	v32 =	vor.u32 v33, v24  }
0xd9: {  	v27 =	vmov s19  }
0xda: {  	v30 =	vcvt.s32.f32 v27  }
0xdb: {  	v28 =	vadd.f32 v28, v26;
	s0 =	sadd.s32 $0x1, s19;
	v27 =	vor.u32 v31, v32;
	(erf) = vpow2.f32 v29  }
0xdc: {  	p2 =	sne.s32 s4, s0;
	v30 =	vsub.f32 v30, v25  }
.Ltmp6:
0xdd: {  	v33 =	vmov s15;
	v28 =	vsub.f32 $0.0e+00, v28;
	(pc) =	sbr.rel @!p2 .LBB2_11-.Ltmp6, $4  }
0xde: {  	v31 =	vnsel vm5, $0x40, v33;
	v63 =	vmul.f32 v30, v30  }
0xdf: {  	v34 =	vmul.f32 v28, v21;
	v28 =	vshll.u32 v31, $0x8  }
0xe0: {  	v62 =	vshll.u32 v31, $0x7;
	v35 =	vand.u32 $0xFFFFF800, v28;
	v30 =	vld.idx.msk [tilespmem:v27+s16+$0x0], $0xffff;
	v28 =	vbroadcast v63, $0x0  }
0xe1: {  	s15 =	sadd.s32 s19, s13;
	p1 =	por $0x1, $0x1;
	v31 =	vand.u32 $0x380, v62;
	v29 =	vmul.f32 $1.442695020e+00, v34;
	v32 =	vor.u32 v35, v24  }
.LBB2_10:
0xe2: {  	v35 =	vmov s0;
	v34 =	vmov s15;
	v31 =	vor.u32 v31, v32;
	s15 =	smov.u32 s0;
	s0 =	sadd.s32 $0x1, s0  }
0xe3: {  	v28 =	vadd.f32 v28, v26;
	v32 =	vcvt.s32.f32 v35;
	p2 =	sne.s32 s4, s0;
	(erf) = vpow2.f32 v29  }
0xe4: {  	v29 =	vnsel vm5, $0x40, v34;
	v33 =	vpop (erf)  }
.Ltmp7:
0xe5: {  	v28 =	vsub.f32 $0.0e+00, v28;
	v32 =	vsub.f32 v32, v25;
	v30 =	vmax.f32 v30, v33;
	(pc) =	sbr.rel @p2 .LBB2_10-.Ltmp7, $4  }
0xe6: {  	v33 =	vshll.u32 v29, $0x7;
	[tilespmem:v27+s16+$0x0] =	vst.idx.msk $0xffff, v30;
	v27 =	vmov v31  }
0xe7: {  	v34 =	vmul.f32 v28, v21;
	v28 =	vshll.u32 v29, $0x8;
	v32 =	vmul.f32 v32, v32;
	v30 =	vld.idx.msk [tilespmem:v31+s16+$0x0], $0xffff  }
0xe8: {  	v35 =	vand.u32 $0xFFFFF800, v28;
	v31 =	vand.u32 $0x380, v33  }
0xe9: {  	s15 =	sadd.s32 s15, s13;
	v29 =	vmul.f32 $1.442695020e+00, v34;
	v28 =	vbroadcast v32, $0x0;
	v32 =	vor.u32 v35, v24  }
.Ltmp8:
0xea: {  	_ = 	snop;
	(pc) =	sbr.rel .LBB2_11-.Ltmp8, $1  }
0xeb: {  	_ =	sdelay $0x3  }
.LBB2_8:
.Ltmp9:
0xec: {  	(pc) =	sbr.rel .LBB2_11-.Ltmp9, $2  }
0xed: {  	_ =	sdelay $0x2  }
0xee: {  	_ = 	snop  }
.LBB2_13:
0xef: {  	s0 =	simm.s32 $0x0  }
0xf0: {  	[hbm4b:s8+s0] =	stream.linear.scatter [tilespmem:s16], [sflag:$0x2], $0x4000, $0x38;
	[tilespmem:$0x10D80] =	vst v63  }
0xf1: {  	_ =	swait.ge [sflag:s14], $0x4000  }
0xf2: {  	[sflag:s14] =	ssyncset.done $0x0  }
0xf3: {  	[sflag:s14] =	ssyncadd.s32 $0xFFFFC000  }
0xf4: {  	v27 =	vld [tilespmem:$0x380]  }
0xf5: {  	v26 =	vld [tilespmem:$0x390]  }
0xf6: {  	s4 =	simm.s32 $0x380;
	v24 =	vld [tilespmem:$0x3B0]  }
0xf7: {  	v28 =	vld.msk [tilespmem:s4+$0x0 ss:$0x0], $0xffff  }
0xf8: {  	v25 =	vld [tilespmem:$0x3A0];
	_ =	sdelay $0x1  }
0xf9: {  	v31 =	vimm.s32 $0x0;
	v32 =	vimm.s32 $0x0  }
0xfa: {  	v30 =	vimm.s32 $0x0;
	v29 =	vimm.s32 $0x0;
	v33 =	vmov s0  }
0xfb: {  	s0 =	simm.s32 $0x381;
	vm9 =	vlt.u32 v33, v15;
	vm6 =	veq.s32 v27, v28;
	vm8 =	veq.s32 v24, v28  }
0xfc: {  	s31 =	simm.s32 $0x1;
	s4 =	simm.s32 $0x2;
	vm7 =	veq.s32 v26, v28;
	vm5 =	veq.s32 v25, v28;
	v28 =	vld.msk [tilespmem:s0+$0x0 ss:$0x0], $0xffff;
	vm8 =	vmand vm9, vm8  }
.LBB2_14:
0xfd: {  	p0 =	sne.s32 s4, $0x3F;
	vm9 =	vlt.u32 v33, v0;
	vm10 =	vlt.u32 v33, v13;
	v34 =	vsel vm8, $0x1, v12  }
0xfe: {  	vm8 =	vlt.u32 v33, v14;
	vm6 =	vmand vm9, vm6;
	v31 =	vor.u32 v34, v31  }
.Ltmp10:
0xff: {  	vm5 =	vmand vm8, vm5;
	v33 =	vsel vm6, $0x1, v12;
	vm6 =	vmand vm10, vm7;
	(pc) =	sbr.rel @p0 .LBB2_14-.Ltmp10, $4  }
0x100: {  	v35 =	vsel vm5, $0x1, v12;
	v32 =	vor.u32 v33, v32;
	v34 =	vsel vm6, $0x1, v12  }
0x101: {  	v33 =	vmov s31;
	v29 =	vor.u32 v35, v29;
	s31 =	smov.u32 s4;
	v30 =	vor.u32 v34, v30  }
0x102: {  	s0 =	sadd.s32 $0x1, s0;
	vm6 =	veq.s32 v27, v28;
	vm8 =	veq.s32 v24, v28;
	vm9 =	vlt.u32 v33, v15  }
0x103: {  	s4 =	sadd.s32 $0x1, s4;
	vm7 =	veq.s32 v26, v28;
	vm5 =	veq.s32 v25, v28;
	vm8 =	vmand vm9, vm8;
	v28 =	vld.msk [tilespmem:s0+$0x0 ss:$0x0], $0xffff  }
0x104: {  	v34 =	vld [tilespmem:$0x400];
	_ =	sdelay $0x4  }
0x105: {  	v35 =	vshll.u32 v34, $0x1  }
0x106: {  	v34 =	vand.u32 $0x7, v34;
	v35 =	vand.u32 $0xFFFFFFF0, v35  }
0x107: {  	v34 =	vor.u32 v34, v35  }
0x108: {  	v35 =	vperm.xlane v34, v16;
	_ =	sdelay $0x1  }
0x109: {  	v34 =	vperm.xlane v34, v18;
	v35 =	vadd.s32 v17, v35;
	_ =	sdelay $0x1  }
0x10a: {  	v34 =	vadd.s32 v17, v34;
	_ =	sdelay $0x2  }
0x10b: {  	[tilespmem:s17], [sflag:$0x1] =	stream.indirect_vreg.gather [hbm4b:s7+s2], $0x80, v35, vm3, $0xb8;
	[tilespmem:$0x10D80] =	vst v63  }
0x10c: {  	s0 =	simm.s32 $0xD00  }
0x10d: {  	[tilespmem:s0], [sflag:$0x1] =	stream.indirect_vreg.gather [hbm4b:s7+s2], $0x80, v34, vm3, $0xb8;
	[tilespmem:$0x10D80] =	vst v63  }
0x10e: {  	v34 =	vld [tilespmem:$0x410];
	_ =	sdelay $0x4  }
0x10f: {  	v44 =	vshll.u32 v34, $0x1  }
0x110: {  	v34 =	vand.u32 $0x7, v34;
	v35 =	vand.u32 $0xFFFFFFF0, v44  }
0x111: {  	v34 =	vor.u32 v34, v35  }
0x112: {  	v35 =	vperm.xlane v34, v16;
	_ =	sdelay $0x1  }
0x113: {  	v34 =	vperm.xlane v34, v18;
	v35 =	vadd.s32 v17, v35;
	_ =	sdelay $0x1  }
0x114: {  	v34 =	vadd.s32 v17, v34;
	_ =	sdelay $0x1  }
0x115: {  	s15 =	simm.s32 $0x1500  }
0x116: {  	[tilespmem:s15], [sflag:$0x1] =	stream.indirect_vreg.gather [hbm4b:s7+s2], $0x80, v35, vm3, $0xb8;
	[tilespmem:$0x10D80] =	vst v63  }
0x117: {  	s19 =	simm.s32 $0x1D00  }
0x118: {  	[tilespmem:s19], [sflag:$0x1] =	stream.indirect_vreg.gather [hbm4b:s7+s2], $0x80, v34, vm3, $0xb8;
	[tilespmem:$0x10D80] =	vst v63  }
0x119: {  	v34 =	vld [tilespmem:$0x420];
	_ =	sdelay $0x4  }
0x11a: {  	v45 =	vshll.u32 v34, $0x1  }
0x11b: {  	v34 =	vand.u32 $0x7, v34;
	v35 =	vand.u32 $0xFFFFFFF0, v45  }
0x11c: {  	v34 =	vor.u32 v34, v35  }
0x11d: {  	v35 =	vperm.xlane v34, v16;
	_ =	sdelay $0x1  }
0x11e: {  	v34 =	vperm.xlane v34, v18;
	v35 =	vadd.s32 v17, v35;
	_ =	sdelay $0x1  }
0x11f: {  	v34 =	vadd.s32 v17, v34;
	_ =	sdelay $0x1  }
0x120: {  	s20 =	simm.s32 $0x2500  }
0x121: {  	[tilespmem:s20], [sflag:$0x1] =	stream.indirect_vreg.gather [hbm4b:s7+s2], $0x80, v35, vm3, $0xb8;
	[tilespmem:$0x10D80] =	vst v63  }
0x122: {  	s4 =	simm.s32 $0x2D00  }
0x123: {  	[tilespmem:s4], [sflag:$0x1] =	stream.indirect_vreg.gather [hbm4b:s7+s2], $0x80, v34, vm3, $0xb8;
	[tilespmem:$0x10D80] =	vst v63  }
0x124: {  	v34 =	vld [tilespmem:$0x430];
	_ =	sdelay $0x4  }
0x125: {  	v46 =	vshll.u32 v34, $0x1  }
0x126: {  	v34 =	vand.u32 $0x7, v34;
	v35 =	vand.u32 $0xFFFFFFF0, v46  }
0x127: {  	v34 =	vor.u32 v34, v35  }
0x128: {  	v35 =	vperm.xlane v34, v16;
	_ =	sdelay $0x1  }
0x129: {  	v34 =	vperm.xlane v34, v18;
	v35 =	vadd.s32 v17, v35;
	_ =	sdelay $0x1  }
0x12a: {  	v34 =	vadd.s32 v17, v34;
	_ =	sdelay $0x1  }
0x12b: {  	s15 =	simm.s32 $0x3500  }
0x12c: {  	[tilespmem:s15], [sflag:$0x1] =	stream.indirect_vreg.gather [hbm4b:s7+s2], $0x80, v35, vm3, $0xb8;
	[tilespmem:$0x10D80] =	vst v63  }
0x12d: {  	s19 =	simm.s32 $0x3D00  }
0x12e: {  	[tilespmem:s19], [sflag:$0x1] =	stream.indirect_vreg.gather [hbm4b:s7+s2], $0x80, v34, vm3, $0xb8;
	[tilespmem:$0x10D80] =	vst v63  }
0x12f: {  	_ =	swait.ge [sflag:s25], $0x4000  }
0x130: {  	[sflag:s25] =	ssyncset.done $0x0  }
0x131: {  	[sflag:s25] =	ssyncadd.s32 $0xFFFFC000  }
0x132: {  	v47 =	vld [tilespmem:$0x400];
	_ =	sdelay $0x4  }
0x133: {  	v48 =	vshll.u32 v47, $0x1  }
0x134: {  	v34 =	vand.u32 $0x7, v47;
	v35 =	vand.u32 $0xFFFFFFF0, v48  }
0x135: {  	v34 =	vor.u32 v34, v35  }
0x136: {  	v35 =	vperm.xlane v34, v16;
	_ =	sdelay $0x1  }
0x137: {  	v34 =	vperm.xlane v34, v18;
	v35 =	vadd.s32 v17, v35;
	_ =	sdelay $0x1  }
0x138: {  	v34 =	vadd.s32 v17, v34;
	_ =	sdelay $0x2  }
0x139: {  	[tilespmem:s26], [sflag:$0x1] =	stream.indirect_vreg.gather [hbm4b:s9+s2], $0x80, v35, vm3, $0xb8;
	[tilespmem:$0x10D80] =	vst v63  }
0x13a: {  	s20 =	simm.s32 $0x4D00  }
0x13b: {  	[tilespmem:s20], [sflag:$0x1] =	stream.indirect_vreg.gather [hbm4b:s9+s2], $0x80, v34, vm3, $0xb8;
	[tilespmem:$0x10D80] =	vst v63  }
0x13c: {  	v34 =	vld [tilespmem:$0x410];
	_ =	sdelay $0x4  }
0x13d: {  	v49 =	vshll.u32 v34, $0x1  }
0x13e: {  	v34 =	vand.u32 $0x7, v34;
	v35 =	vand.u32 $0xFFFFFFF0, v49  }
0x13f: {  	v34 =	vor.u32 v34, v35  }
0x140: {  	v35 =	vperm.xlane v34, v16;
	_ =	sdelay $0x1  }
0x141: {  	v34 =	vperm.xlane v34, v18;
	v35 =	vadd.s32 v17, v35;
	_ =	sdelay $0x1  }
0x142: {  	v34 =	vadd.s32 v17, v34;
	_ =	sdelay $0x1  }
0x143: {  	s4 =	simm.s32 $0x5500  }
0x144: {  	[tilespmem:s4], [sflag:$0x1] =	stream.indirect_vreg.gather [hbm4b:s9+s2], $0x80, v35, vm3, $0xb8;
	[tilespmem:$0x10D80] =	vst v63  }
0x145: {  	s15 =	simm.s32 $0x5D00  }
0x146: {  	[tilespmem:s15], [sflag:$0x1] =	stream.indirect_vreg.gather [hbm4b:s9+s2], $0x80, v34, vm3, $0xb8;
	[tilespmem:$0x10D80] =	vst v63  }
0x147: {  	v34 =	vld [tilespmem:$0x420];
	_ =	sdelay $0x4  }
0x148: {  	v50 =	vshll.u32 v34, $0x1  }
0x149: {  	v34 =	vand.u32 $0x7, v34;
	v35 =	vand.u32 $0xFFFFFFF0, v50  }
0x14a: {  	v34 =	vor.u32 v34, v35  }
0x14b: {  	v35 =	vperm.xlane v34, v16;
	_ =	sdelay $0x1  }
0x14c: {  	v34 =	vperm.xlane v34, v18;
	v35 =	vadd.s32 v17, v35;
	_ =	sdelay $0x1  }
0x14d: {  	v34 =	vadd.s32 v17, v34;
	_ =	sdelay $0x1  }
0x14e: {  	s19 =	simm.s32 $0x6500  }
0x14f: {  	[tilespmem:s19], [sflag:$0x1] =	stream.indirect_vreg.gather [hbm4b:s9+s2], $0x80, v35, vm3, $0xb8;
	[tilespmem:$0x10D80] =	vst v63  }
0x150: {  	s20 =	simm.s32 $0x6D00  }
0x151: {  	[tilespmem:s20], [sflag:$0x1] =	stream.indirect_vreg.gather [hbm4b:s9+s2], $0x80, v34, vm3, $0xb8;
	[tilespmem:$0x10D80] =	vst v63  }
0x152: {  	v34 =	vld [tilespmem:$0x430];
	_ =	sdelay $0x4  }
0x153: {  	v51 =	vshll.u32 v34, $0x1  }
0x154: {  	v34 =	vand.u32 $0x7, v34;
	v35 =	vand.u32 $0xFFFFFFF0, v51  }
0x155: {  	v34 =	vor.u32 v34, v35  }
0x156: {  	v35 =	vperm.xlane v34, v16;
	_ =	sdelay $0x1  }
0x157: {  	v34 =	vperm.xlane v34, v18;
	v35 =	vadd.s32 v17, v35;
	_ =	sdelay $0x1  }
0x158: {  	v34 =	vadd.s32 v17, v34;
	_ =	sdelay $0x1  }
0x159: {  	s4 =	simm.s32 $0x7500  }
0x15a: {  	[tilespmem:s4], [sflag:$0x1] =	stream.indirect_vreg.gather [hbm4b:s9+s2], $0x80, v35, vm3, $0xb8;
	[tilespmem:$0x10D80] =	vst v63  }
0x15b: {  	s15 =	simm.s32 $0x7D00  }
0x15c: {  	[tilespmem:s15], [sflag:$0x1] =	stream.indirect_vreg.gather [hbm4b:s9+s2], $0x80, v34, vm3, $0xb8;
	[tilespmem:$0x10D80] =	vst v63  }
0x15d: {  	_ =	swait.ge [sflag:s25], $0x4000  }
0x15e: {  	[sflag:s25] =	ssyncset.done $0x0  }
0x15f: {  	[sflag:s25] =	ssyncadd.s32 $0xFFFFC000  }
0x160: {  	v52 =	vld [tilespmem:$0x400];
	_ =	sdelay $0x4  }
0x161: {  	v53 =	vshll.u32 v52, $0x1  }
0x162: {  	v34 =	vand.u32 $0x7, v52;
	v35 =	vand.u32 $0xFFFFFFF0, v53  }
0x163: {  	v34 =	vor.u32 v34, v35  }
0x164: {  	v35 =	vperm.xlane v34, v16;
	_ =	sdelay $0x1  }
0x165: {  	v34 =	vperm.xlane v34, v18;
	v35 =	vadd.s32 v17, v35;
	_ =	sdelay $0x1  }
0x166: {  	v34 =	vadd.s32 v17, v34;
	_ =	sdelay $0x2  }
0x167: {  	[tilespmem:s18], [sflag:$0x1] =	stream.indirect_vreg.gather [hbm4b:s10+s2], $0x80, v35, vm3, $0xb8;
	[tilespmem:$0x10D80] =	vst v63  }
0x168: {  	s19 =	simm.s32 $0x8D00  }
0x169: {  	[tilespmem:s19], [sflag:$0x1] =	stream.indirect_vreg.gather [hbm4b:s10+s2], $0x80, v34, vm3, $0xb8;
	[tilespmem:$0x10D80] =	vst v63  }
0x16a: {  	v34 =	vld [tilespmem:$0x410];
	_ =	sdelay $0x4  }
0x16b: {  	v54 =	vshll.u32 v34, $0x1  }
0x16c: {  	v34 =	vand.u32 $0x7, v34;
	v35 =	vand.u32 $0xFFFFFFF0, v54  }
0x16d: {  	v34 =	vor.u32 v34, v35  }
0x16e: {  	v35 =	vperm.xlane v34, v16;
	_ =	sdelay $0x1  }
0x16f: {  	v34 =	vperm.xlane v34, v18;
	v35 =	vadd.s32 v17, v35;
	_ =	sdelay $0x1  }
0x170: {  	v34 =	vadd.s32 v17, v34;
	_ =	sdelay $0x1  }
0x171: {  	s20 =	simm.s32 $0x9500  }
0x172: {  	[tilespmem:s20], [sflag:$0x1] =	stream.indirect_vreg.gather [hbm4b:s10+s2], $0x80, v35, vm3, $0xb8;
	[tilespmem:$0x10D80] =	vst v63  }
0x173: {  	_ = 	snop  }
0x174: {  	[tilespmem:s21], [sflag:$0x1] =	stream.indirect_vreg.gather [hbm4b:s10+s2], $0x80, v34, vm3, $0xb8;
	[tilespmem:$0x10D80] =	vst v63  }
0x175: {  	v34 =	vld [tilespmem:$0x420];
	_ =	sdelay $0x4  }
0x176: {  	v55 =	vshll.u32 v34, $0x1  }
0x177: {  	v34 =	vand.u32 $0x7, v34;
	v35 =	vand.u32 $0xFFFFFFF0, v55  }
0x178: {  	v34 =	vor.u32 v34, v35  }
0x179: {  	v35 =	vperm.xlane v34, v16;
	_ =	sdelay $0x1  }
0x17a: {  	v34 =	vperm.xlane v34, v18;
	v35 =	vadd.s32 v17, v35;
	_ =	sdelay $0x1  }
0x17b: {  	v34 =	vadd.s32 v17, v34;
	_ =	sdelay $0x2  }
0x17c: {  	[tilespmem:s22], [sflag:$0x1] =	stream.indirect_vreg.gather [hbm4b:s10+s2], $0x80, v35, vm3, $0xb8;
	[tilespmem:$0x10D80] =	vst v63  }
0x17d: {  	_ = 	snop  }
0x17e: {  	[tilespmem:s23], [sflag:$0x1] =	stream.indirect_vreg.gather [hbm4b:s10+s2], $0x80, v34, vm3, $0xb8;
	[tilespmem:$0x10D80] =	vst v63  }
0x17f: {  	v34 =	vld [tilespmem:$0x430];
	_ =	sdelay $0x4  }
0x180: {  	v56 =	vshll.u32 v34, $0x1  }
0x181: {  	v34 =	vand.u32 $0x7, v34;
	v35 =	vand.u32 $0xFFFFFFF0, v56  }
0x182: {  	v34 =	vor.u32 v34, v35  }
0x183: {  	v35 =	vperm.xlane v34, v16;
	_ =	sdelay $0x1  }
0x184: {  	v34 =	vperm.xlane v34, v18;
	v35 =	vadd.s32 v17, v35;
	_ =	sdelay $0x1  }
0x185: {  	v34 =	vadd.s32 v17, v34;
	_ =	sdelay $0x1  }
0x186: {  	v36 =	vshll.u32 v27, $0x3  }
0x187: {  	v57 =	vand.u32 $0x7F, v27;
	v36 =	vand.u32 $0x400, v36;
	[tilespmem:s24], [sflag:$0x1] =	stream.indirect_vreg.gather [hbm4b:s10+s2], $0x80, v35, vm3, $0xb8;
	[tilespmem:$0x10D80] =	vst v63  }
0x188: {  	v35 =	vor.u32 v36, v57  }
0x189: {  	v58 =	vor.u32 v19, v35;
	[tilespmem:s28], [sflag:$0x1] =	stream.indirect_vreg.gather [hbm4b:s10+s2], $0x80, v34, vm3, $0xb8;
	[tilespmem:$0x10D80] =	vst v63  }
0x18a: {  	_ =	swait.ge [sflag:s25], $0x4000  }
0x18b: {  	[sflag:s25] =	ssyncset.done $0x0  }
0x18c: {  	[sflag:s25] =	ssyncadd.s32 $0xFFFFC000  }
0x18d: {  	v37 =	vshll.u32 v26, $0x3;
	v62 =	vld [tilespmem:$0x200]  }
0x18e: {  	v59 =	vmov s31;
	v39 =	vand.u32 $0x7F, v26;
	v37 =	vand.u32 $0x400, v37;
	v38 =	vld.idx.msk [tilespmem:v58+s17+$0x0], $0xffff  }
0x18f: {  	vm9 =	vlt.u32 v33, v0;
	vm10 =	vlt.u32 v33, v13;
	v37 =	vor.u32 v37, v39;
	v40 =	vld.idx.msk [tilespmem:v58+s26+$0x0], $0xffff  }
0x190: {  	v60 =	vsel vm8, $0x1, v12;
	vm14 =	vlt.u32 v33, v14;
	v45 =	vor.u32 v20, v37;
	v33 =	vld.idx.msk [tilespmem:v58+s18+$0x0], $0xffff  }
0x191: {  	v41 =	vshll.u32 v25, $0x3;
	vm6 =	vmand vm9, vm6;
	v31 =	vor.u32 v60, v31;
	v46 =	vld [tilespmem:$0x280]  }
0x192: {  	vm5 =	vmand vm14, vm5;
	vm13 =	vlt.u32 v59, v13;
	v41 =	vand.u32 $0x400, v41;
	v47 =	vld [tilespmem:$0x300]  }
0x193: {  	v60 =	vand.u32 $0x7F, v24;
	v61 =	vsel vm6, $0x1, v12;
	vm6 =	vmand vm10, vm7;
	v48 =	vld [tilespmem:$0x480]  }
0x194: {  	vm7 =	vlt.u32 v59, v15;
	v32 =	vor.u32 v61, v32;
	v63 =	vsel vm6, $0x1, v12;
	v50 =	vld [tilespmem:$0x210]  }
0x195: {  	v30 =	vor.u32 v63, v30;
	vm6 =	veq.s32 v24, v28;
	v52 =	vand.u32 $0x7F, v25;
	v51 =	vld.idx.msk [tilespmem:v45+s17+$0x0], $0xffff  }
0x196: {  	vm15 =	veq.s32 v26, v28;
	vm12 =	veq.s32 v25, v28;
	v25 =	vor.u32 v41, v52;
	v53 =	vld.idx.msk [tilespmem:v45+s26+$0x0], $0xffff  }
0x197: {  	vm6 =	vmand vm7, vm6;
	v44 =	vsel vm5, $0x1, v12;
	v25 =	vor.u32 v22, v25;
	v34 =	vld.idx.msk [tilespmem:v45+s18+$0x0], $0xffff  }
0x198: {  	vm7 =	vlt.u32 v59, v0;
	vm5 =	veq.s32 v27, v28;
	v29 =	vor.u32 v44, v29;
	v43 =	vld [tilespmem:$0x290]  }
0x199: {  	vm5 =	vmand vm7, vm5;
	vm7 =	vlt.u32 v59, v14;
	v49 =	vsel vm6, $0x1, v12;
	v56 =	vld [tilespmem:$0x310]  }
0x19a: {  	vm6 =	vmand vm13, vm15;
	v54 =	vsel vm5, $0x1, v12;
	vm5 =	vmand vm7, vm12;
	v57 =	vld [tilespmem:$0x490]  }
0x19b: {  	v31 =	vor.u32 v49, v31;
	v32 =	vor.u32 v54, v32;
	v42 =	vsel vm5, $0x1, v12;
	v59 =	vld [tilespmem:$0x220]  }
0x19c: {  	v29 =	vor.u32 v42, v29;
	vm5 =	veq.s32 v32, $0x0;
	v55 =	vsel vm6, $0x1, v12;
	v61 =	vld.idx.msk [tilespmem:v25+s17+$0x0], $0xffff  }
0x19d: {  	v30 =	vor.u32 v55, v30;
	v58 =	vshll.u32 v24, $0x3;
	v42 =	vld [tilespmem:$0x2A0];
	v27 =	vsub.f32 v38, v46  }
0x19e: {  	v26 =	vsub.f32 v40, v47;
	vm6 =	vge.s32 v62, v2;
	v40 =	vand.u32 $0x400, v58  }
0x19f: {  	vm7 =	vlt.s32 v62, v3;
	v63 =	vsub.f32 v51, v43;
	v32 =	vsub.f32 v53, v56  }
0x1a0: {  	v44 =	vld [tilespmem:$0x320];
	v28 =	vsub.f32 v33, v48;
	vm14 =	vlt.s32 v50, v3;
	v34 =	vsub.f32 v34, v57  }
0x1a1: {  	v45 =	vld [tilespmem:$0x4A0];
	vm15 =	vge.s32 v59, v2;
	v24 =	vor.u32 v40, v60;
	vm5 =	vmand vm5, vm6  }
0x1a2: {  	v49 =	vld [tilespmem:$0x330];
	vm6 =	veq.s32 v30, $0x0;
	v30 =	vsub.f32 v61, v42;
	v24 =	vor.u32 v23, v24  }
0x1a3: {  	v62 =	vld.idx.msk [tilespmem:v25+s26+$0x0], $0xffff;
	v27 =	vand.u32 $0x7FFFFFFF, v27;
	v26 =	vand.u32 $0x7FFFFFFF, v26;
	vm5 =	vmand vm7, vm5  }
0x1a4: {  	v25 =	vld.idx.msk [tilespmem:v25+s18+$0x0], $0xffff;
	vm7 =	vge.s32 v50, v2;
	v43 =	vand.u32 $0x7FFFFFFF, v63;
	v32 =	vand.u32 $0x7FFFFFFF, v32  }
0x1a5: {  	v48 =	vld [tilespmem:$0x2B0];
	v28 =	vand.u32 $0x7FFFFFFF, v28;
	v34 =	vand.u32 $0x7FFFFFFF, v34;
	v26 =	vadd.f32 v26, v27  }
0x1a6: {  	v50 =	vld [tilespmem:$0x230];
	v32 =	vadd.f32 v32, v43;
	vm6 =	vmand vm6, vm7;
	v28 =	vnsel vm5, $0x0, v28  }
0x1a7: {  	vm7 =	veq.s32 v29, $0x0;
	v51 =	vsel vm5, $0x3F800000, v11;
	v30 =	vand.u32 $0x7FFFFFFF, v30;
	v46 =	vld.idx.msk [tilespmem:v24+s17+$0x0], $0xffff  }
0x1a8: {  	vm6 =	vmand vm14, vm6;
	vm7 =	vmand vm7, vm15;
	v26 =	vnsel vm5, $0x0, v26;
	v47 =	vld.idx.msk [tilespmem:v24+s26+$0x0], $0xffff  }
0x1a9: {  	v32 =	vnsel vm6, $0x0, v32;
	v34 =	vnsel vm6, $0x0, v34;
	v27 =	vsub.f32 v62, v44  }
0x1aa: {  	v53 =	vld [tilespmem:$0x4B0];
	vm5 =	vlt.s32 v59, v3;
	v52 =	vsel vm6, $0x3F800000, v11;
	v25 =	vsub.f32 v25, v45  }
0x1ab: {  	vm6 =	veq.s32 v31, $0x0;
	v26 =	vadd.f32 v32, v26;
	v28 =	vadd.f32 v34, v28;
	v24 =	vld.idx.msk [tilespmem:v24+s18+$0x0], $0xffff  }
0x1ac: {  	v34 =	vadd.f32 v52, v51;
	vm5 =	vmand vm5, vm7;
	v27 =	vand.u32 $0x7FFFFFFF, v27  }
0x1ad: {  	vm7 =	vge.s32 v50, v2;
	v54 =	vsub.f32 v46, v48;
	v29 =	vsub.f32 v47, v49  }
0x1ae: {  	v25 =	vand.u32 $0x7FFFFFFF, v25;
	v27 =	vadd.f32 v27, v30;
	vm6 =	vmand vm6, vm7  }
0x1af: {  	vm7 =	vlt.s32 v50, v3;
	v55 =	vand.u32 $0x7FFFFFFF, v54;
	v29 =	vand.u32 $0x7FFFFFFF, v29  }
0x1b0: {  	v27 =	vnsel vm5, $0x0, v27;
	v24 =	vsub.f32 v24, v53;
	v29 =	vadd.f32 v29, v55  }
0x1b1: {  	v25 =	vnsel vm5, $0x0, v25;
	vm6 =	vmand vm7, vm6;
	v26 =	vadd.f32 v27, v26  }
0x1b2: {  	v25 =	vadd.f32 v25, v28;
	v24 =	vand.u32 $0x7FFFFFFF, v24;
	v56 =	vnsel vm6, $0x0, v29  }
0x1b3: {  	v57 =	vsel vm5, $0x3F800000, v11;
	v24 =	vnsel vm6, $0x0, v24;
	v26 =	vadd.f32 v56, v26  }
0x1b4: {  	v58 =	vadd.f32 v57, v34;
	v24 =	vadd.f32 v24, v25  }
0x1b5: {  	v59 =	vsel vm6, $0x3F800000, v11;
	(xrf2) =	vadd.scan.msk.f32 $0xffff, v26  }
0x1b6: {  	v25 =	vadd.f32 v59, v58;
	(xrf2) =	vadd.scan.msk.f32 $0xffff, v24;
	_ =	sdelay $0x1  }
0x1b7: {  	(xrf2) =	vadd.scan.msk.f32 $0xffff, v25;
	_ =	sdelay $0x6  }
0x1b8: {  	v60, _, _ =	vpop (xrf2)  }
0x1b9: {  	v61, _, _ =	vpop (xrf2)  }
0x1ba: {  	[tilespmem:$0x10D10] =	vst v11;
	v24 =	vbroadcast v60, $0xF;
	v25 =	vbroadcast v61, $0xF  }
0x1bb: {  	[tilespmem:$0x10D20] =	vst v11;
	v62, _, _ =	vpop (xrf2)  }
0x1bc: {  	[tilespmem:$0x10D30] =	vst v11;
	v24 =	vnsel vm4, $0x0, v24;
	v26 =	vbroadcast v62, $0xF;
	v25 =	vnsel vm0, $0x0, v25  }
0x1bd: {  	[tilespmem:$0x10D40] =	vst v11;
	v24 =	vadd.f32 v25, v24  }
0x1be: {  	[tilespmem:$0x10D50] =	vst v11;
	v63 =	vnsel vm1, $0x0, v26  }
0x1bf: {  	s30 =	sadd.s32 $0x1, s30;
	[tilespmem:$0x10D60] =	vst v11;
	v24 =	vadd.f32 v24, v63  }
0x1c0: {  	p0 =	sne.s32 s30, s12;
	[tilespmem:$0x10D70] =	vst v11  }
.Ltmp11:
0x1c1: {  	[tilespmem:$0x10D00] =	vst v24;
	(pc) =	sbr.rel @p0 .LBB2_1-.Ltmp11, $4  }
0x1c2: {  	[hbm4b:s11+s2] =	stream.linear.scatter [tilespmem:s29], [sflag:$0x2], $0x80, $0x38;
	[tilespmem:$0x10D80] =	vst v63  }
0x1c3: {  	_ =	swait.ge [sflag:s14], $0x80  }
0x1c4: {  	[sflag:s14] =	ssyncset.done $0x0  }
0x1c5: {  	[sflag:s14] =	ssyncadd.s32 $0xFFFFFF80  }
0x1c6: {  	_ =	sfence.sel $0x180000  }
0x1c7: {  	[bflag:$0x0] =	sbarrier.arrive $0xFFFF  }
0x1c8: {  	_ =	strace $0x90000047  }
0x1c9: {  	s0 =	stileid.u32;
	[bflag:$0x2] =	sbarrier.arrive $0xFFFF  }
0x1ca: {  	p0 =	sne.s32 s0, $0x0;
	s0 =	rddreg [dreg:$0x3]  }
0x1cb: {  	s0 =	sadd.s32 @!p0 $0x100000, s0  }
0x1cc: {  	[sflag:s0] =	ssyncadd.tile.s32 @!p0 $0x1;
	_ =	shalt  }
.Lfunc_end2:
_tile_overlayer_lowered:
.L_overlay_start_2:
0x1cd: {  	(tag) =	ssettag $0x2  }
0x1ce: {  	s0 =	rddreg [dreg:$0x0];
	s2 =	stileid.u32  }
0x1cf: {  	s1 =	rddreg [dreg:$0x1];
	p0 =	sne.s32 s2, $0x0  }
0x1d0: {  	s3 =	rddreg [dreg:$0x2];
	[bflag:$0x3] =	sbarrier.arrive $0xFFFF;
	s2 =	simm.s32 @!p0 $0x1C02  }
0x1d1: {  	[timem:s3], [sflag:s2] =	dma.local @!p0 [hbm:s0], s1  }
0x1d2: {  	s0 =	simm.s32 @!p0 $0x2  }
0x1d3: {  	_ =	swait.ge @!p0 [sflag:s0], s1  }
0x1d4: {  	s1 =	ssub.s32 @!p0 $0x0, s1;
	[sflag:s0] =	ssyncset.done @!p0 $0x0  }
0x1d5: {  	[sflag:s0] =	ssyncadd.s32 @!p0 s1  }
0x1d6: {  	[bflag:$0x3] =	sbarrier.arrive $0xFFFF  }
0x1d7: {  	_ =	shalt  }

</sc_bundles>
